<compile_context>
chip_gen: v7x
topology: tpu7x:2x2x1
jax: 0.10.2.dev20260603
libtpu: 0.0.44.dev20260713+nightly
codegen_flags: <defaults>
</compile_context>

<pallas_src>
import functools

import jax
import jax.numpy as jnp
from jax import lax
from jax.experimental import pallas as pl
from jax.experimental.pallas import tpu as pltpu
from jax.experimental.pallas import tpu_sc as plsc

IN_CH = 96
OUT_CH = 192
KK = 3
HW = 224
TABLE_SIZE = 16
RHASH = 0.05
RB = 8


def _stats_body(x_ref, a_ref, o_ref, xt_ref):
    b = pl.program_id(0)
    xb = x_ref[...]
    xt_ref[...] = jnp.pad(jnp.transpose(xb, (1, 0, 2)),
                          ((1, 1), (0, 0), (1, 1)))
    av = a_ref[...]
    neg = jnp.float32(-3.0e38)
    ri = lax.broadcasted_iota(jnp.int32, (8, HW, HW), 1)
    cm = [
        jnp.max(jnp.where(ri <= HW - 2, xb, neg), axis=1),
        jnp.max(xb, axis=1),
        jnp.max(jnp.where(ri >= 1, xb, neg), axis=1),
    ]
    ci = lax.broadcasted_iota(jnp.int32, (8, HW), 1)
    cmask = [ci <= HW - 2, ci >= 0, ci >= 1]
    ms = []
    for kh in range(3):
        for kw in range(3):
            m = jnp.max(jnp.where(cmask[kw], cm[kh], neg), axis=1)
            if not (kh == 1 and kw == 1):
                m = jnp.maximum(m, 0.0)
            ms.append(m)
    mr = jnp.stack(ms, axis=1)
    pdot = jnp.sum(mr * av[:, :9])
    pnrm = jnp.sum(mr * mr)

    @pl.when(b == 0)
    def _():
        o_ref[...] = jnp.zeros_like(o_ref)

    li = lax.broadcasted_iota(jnp.int32, (8, 128), 1)
    si = lax.broadcasted_iota(jnp.int32, (8, 128), 0)
    contrib = jnp.where((si == 0) & (li == 1), pdot, 0.0) + jnp.where(
        (si == 0) & (li == 2), pnrm, 0.0)
    o_ref[...] += contrib


def _stats_call(xs, a9p):
    return pl.pallas_call(
        _stats_body,
        grid=(IN_CH // 8,),
        in_specs=[
            pl.BlockSpec((8, HW, HW), lambda b: (b, 0, 0)),
            pl.BlockSpec((8, 16), lambda b: (b, 0)),
        ],
        out_specs=[
            pl.BlockSpec((8, 128), lambda b: (0, 0)),
            pl.BlockSpec((HW + 2, 8, HW + 2), lambda b: (0, b, 0)),
        ],
        out_shape=[
            jax.ShapeDtypeStruct((8, 128), jnp.float32),
            jax.ShapeDtypeStruct((HW + 2, IN_CH, HW + 2), jnp.float32),
        ],
    )(xs, a9p)


def _route_body(stats_hbm, par_hbm, offs_hbm, tidx_hbm, s_hbm,
                st_v, par_v, offs_v, tidx_v, s_v):
    cid = lax.axis_index("c")
    sid = lax.axis_index("s")

    @pl.when((cid == 0) & (sid == 0))
    def _():
        pltpu.sync_copy(stats_hbm, st_v)
        pltpu.sync_copy(par_hbm, par_v)
        pltpu.sync_copy(offs_hbm, offs_v)
        pltpu.sync_copy(tidx_hbm, tidx_v)
        lanes = lax.iota(jnp.int32, 16)
        zero_i = jnp.zeros((16,), jnp.int32)
        dt = plsc.load_gather(st_v, [zero_i + 1])
        nr = plsc.load_gather(st_v, [zero_i + 2])
        tail = plsc.load_gather(par_v, [zero_i + 1])
        nb = plsc.bitcast(nr, jnp.int32)
        y = plsc.bitcast((nb >> 1) + jnp.int32(0x1FBD1DF5), jnp.float32)
        for _ in range(5):
            y = 0.5 * (y + nr / y)
        hval = (dt / y + tail) / RHASH
        ti = hval.astype(jnp.int32)
        tif = ti.astype(jnp.float32)
        ti = jnp.where(tif > hval, ti - 1, ti)
        idx = jnp.where(ti < 0, -ti, ti) % TABLE_SIZE
        start = plsc.load_gather(offs_v, [idx])
        end = plsc.load_gather(offs_v, [idx + 1])
        count = end - start
        cf = jnp.where(count > 0, count, 1).astype(jnp.float32)
        scale = jnp.where(count > 0, float(OUT_CH) / cf, 1.0)
        init = jnp.where(count > 0, 0.0, 1.0)
        for c in range(OUT_CH // 16):
            s_v[pl.ds(16 * c, 16)] = init
        for c in range(OUT_CH // 16):
            pos = lanes + 16 * c
            m = (pos >= start) & (pos < end)
            tix = tidx_v[pl.ds(16 * c, 16)]
            plsc.store_scatter(s_v, [tix], scale, mask=m)
        pltpu.sync_copy(s_v, s_hbm)


def _route_call(stats16, params16, offs32, tidx32):
    mesh = plsc.VectorSubcoreMesh(core_axis_name="c", subcore_axis_name="s")
    f = functools.partial(
        pl.kernel,
        out_type=jax.ShapeDtypeStruct((OUT_CH,), jnp.float32),
        mesh=mesh,
        compiler_params=pltpu.CompilerParams(needs_layout_passes=False),
        scratch_types=[
            pltpu.VMEM((16,), jnp.float32),
            pltpu.VMEM((16,), jnp.float32),
            pltpu.VMEM((32,), jnp.int32),
            pltpu.VMEM((OUT_CH,), jnp.int32),
            pltpu.VMEM((OUT_CH,), jnp.float32),
        ],
    )(_route_body)
    return f(stats16, params16, offs32, tidx32)


def _conv_body(s_ref, b_ref, w_ref, xt_hbm, out_ref, xp_ref, sem):
    g = pl.program_id(0)
    ng = HW // RB
    slot = lax.rem(g, 2)
    nslot = lax.rem(g + 1, 2)

    @pl.when(g == 0)
    def _():
        pltpu.make_async_copy(
            xt_hbm.at[pl.ds(0, RB + 2)], xp_ref.at[0], sem.at[0]).start()

    @pl.when(g + 1 < ng)
    def _():
        pltpu.make_async_copy(
            xt_hbm.at[pl.ds((g + 1) * RB, RB + 2)], xp_ref.at[nslot],
            sem.at[nslot]).start()

    pltpu.make_async_copy(
        xt_hbm.at[pl.ds(g * RB, RB + 2)], xp_ref.at[slot],
        sem.at[slot]).wait()
    sv = s_ref[...]
    bv = b_ref[...]
    for i in range(RB):
        acc = jnp.zeros((OUT_CH, HW), jnp.float32)
        for kh in range(3):
            xrow = xp_ref[slot, i + kh]
            for kw in range(3):
                y = lax.dot_general(
                    w_ref[3 * kh + kw], xrow,
                    dimension_numbers=(((1,), (0,)), ((), ())),
                    preferred_element_type=jnp.float32)
                acc = acc + y[:, kw:kw + HW]
        out_ref[:, i, :] = acc * sv + bv


def _conv_call(svec, bias_col, w9, xt):
    return pl.pallas_call(
        _conv_body,
        grid=(HW // RB,),
        in_specs=[
            pl.BlockSpec((OUT_CH, 1), lambda g: (0, 0)),
            pl.BlockSpec((OUT_CH, 1), lambda g: (0, 0)),
            pl.BlockSpec((9, OUT_CH, IN_CH), lambda g: (0, 0, 0)),
            pl.BlockSpec(memory_space=pl.ANY),
        ],
        out_specs=pl.BlockSpec((OUT_CH, RB, HW), lambda g: (0, g, 0)),
        out_shape=jax.ShapeDtypeStruct((OUT_CH, HW, HW), jnp.float32),
        scratch_shapes=[
            pltpu.VMEM((2, RB + 2, IN_CH, HW + 2), jnp.float32),
            pltpu.SemaphoreType.DMA((2,)),
        ],
    )(svec, bias_col, w9, xt)



def kernel(x, mode, kernels, bias, a_hash, b_hash, table_indices,
           table_offsets):
    del mode
    f32 = jnp.float32
    xs = x.reshape(IN_CH, HW, HW).astype(f32)
    w9 = jnp.transpose(
        kernels.reshape(OUT_CH, IN_CH, KK, KK), (2, 3, 0, 1)
    ).reshape(KK * KK, OUT_CH, IN_CH)
    a9p = jnp.zeros((IN_CH, 16), f32).at[:, :9].set(
        a_hash[:IN_CH * 9].reshape(IN_CH, 9))
    tail_c = 0.5 * jnp.sum(a_hash[IN_CH * 9:IN_CH * 9 + 3]) + b_hash
    params = jnp.zeros((16,), f32).at[1].set(tail_c)
    offs32 = jnp.zeros((32,), jnp.int32).at[:TABLE_SIZE + 1].set(
        table_offsets.astype(jnp.int32))
    tidx32 = table_indices.astype(jnp.int32)

    stats, xt = _stats_call(xs, a9p)
    svec = _route_call(stats[0, :16], params, offs32, tidx32)
    out = _conv_call(svec.reshape(OUT_CH, 1), bias.reshape(OUT_CH, 1),
                     w9, xt)
    return out.reshape(1, OUT_CH, HW, HW)

# --- scband reference (transcript-rebuilt; emitter-appended) ---
"""Pipeline reference for scband-alshconv2d-66838281060970 (READ-ONLY COPY).

The authoritative reference and input builder live on the scoring server;
editing this copy changes nothing except your own understanding.
"""

import jax, jax.numpy as jnp
import numpy as np

IN_CH = 96
OUT_CH = 192
K = 3
STRIDE = 1
PAD = 1
M = 3
TABLE_SIZE = 16
R = 0.05


def _hash_np(v, a, b):
    # hf: floor random-projection hash, as used for both table build (P-transformed
    # kernels) and queries (Q-transformed patch statistic).
    return int(np.floor((float(np.dot(a, v)) + float(b)) / R))


def setup_inputs(seed: int = 0) -> dict:
    rng = np.random.default_rng(0)
    kdim = IN_CH * K * K
    stdv = 1.0 / np.sqrt(kdim)
    # kernels stored flattened (out_channels, k*k*in_channels), matching
    # self.kernels.view(out_channels, -1) after reset_parameters()
    kernels = rng.uniform(-stdv, stdv, size=(OUT_CH, kdim)).astype(np.float32)
    bias = rng.uniform(-stdv, stdv, size=(1, OUT_CH, 1, 1)).astype(np.float32)
    # shared random hash projection (dim = kdim + m augmentation slots)
    a_hash = rng.normal(size=(kdim + M,)).astype(np.float32)
    b_hash = np.float32(rng.uniform(0.0, R))
    # _build_alsh_table: hash P(kernel, m) = [kernel, ||k||^2, ||k||^4, ||k||^8]
    table = [[] for _ in range(TABLE_SIZE)]
    for i in range(OUT_CH):
        kf = kernels[i]
        n2 = float(np.dot(kf, kf))
        norms = np.array([n2 ** (2 ** j) for j in range(M)], dtype=np.float32)
        v = np.concatenate([kf, norms])
        h = _hash_np(v, a_hash, b_hash)
        idx = abs(h) % TABLE_SIZE
        table[idx].append(i)
    flat = []
    offsets = [0]
    for bucket in table:
        flat.extend(bucket)
        offsets.append(len(flat))
    key = jax.random.key(seed)
    x = jax.random.normal(key, (1, IN_CH, 224, 224), dtype=jnp.float32)
    return {
        "x": x,
        "mode": 0,
        "kernels": jnp.asarray(kernels),
        "bias": jnp.asarray(bias),
        "a_hash": jnp.asarray(a_hash),
        "b_hash": jnp.asarray(b_hash),
        "table_indices": jnp.asarray(np.asarray(flat, dtype=np.int64)),
        "table_offsets": jnp.asarray(np.asarray(offsets, dtype=np.int64)),
    }


def _im2col(x):
    # (N, C*K*K, h2, w2), channels ordered (C, kh, kw); kernels use matching layout
    return jax.lax.conv_general_dilated_patches(
        x, (K, K), (STRIDE, STRIDE), [(PAD, PAD), (PAD, PAD)])


def reference(x, mode, kernels, bias, a_hash, b_hash, table_indices, table_offsets):
    N, C, H, W = x.shape
    h2 = (H - K + 2 * PAD) // STRIDE + 1
    w2 = (W - K + 2 * PAD) // STRIDE + 1
    kdim = C * K * K
    patches = _im2col(x)  # (N, kdim, h2, w2)
    patch_matr = jnp.transpose(patches, (1, 0, 2, 3)).reshape(kdim, N * h2 * w2)
    # query statistic: per-row max over all columns, normalized to unit length
    max_each_row = jnp.max(patch_matr, axis=1)
    unit_row = max_each_row / jnp.linalg.norm(max_each_row)
    # Q(q, m) = [q, 1/2, ..., 1/2]
    qv = jnp.concatenate([unit_row, jnp.full((M,), 0.5, dtype=unit_row.dtype)])
    h = jnp.floor((jnp.dot(a_hash, qv) + b_hash) / R)
    idx = jnp.abs(h).astype(table_offsets.dtype) % TABLE_SIZE
    start = table_offsets[idx]
    end = table_offsets[idx + 1]
    count = end - start
    positions = jnp.arange(table_indices.shape[0], dtype=table_offsets.dtype)
    mask = (positions >= start) & (positions < end)

    def _nonempty(_):
        rows_gather = jnp.where(mask, table_indices, 0)
        sub_out = kernels[rows_gather] @ patch_matr
        rows_scatter = jnp.where(mask, table_indices, kernels.shape[0])
        out_full = jnp.zeros((kernels.shape[0], patch_matr.shape[1]),
                             dtype=patch_matr.dtype).at[rows_scatter].set(
                                 sub_out, mode="drop")
        scale = count.astype(patch_matr.dtype) / kernels.shape[0]
        return out_full / scale

    def _empty(_):
        return kernels @ patch_matr

    out = jax.lax.cond(count > 0, _nonempty, _empty, None)
    out = out.reshape(kernels.shape[0], N, h2 * w2)
    out = jnp.transpose(out, (1, 0, 2)).reshape(N, kernels.shape[0], h2, w2)
    return out + bias


if False:  # reference __main__ guard neutralized (emitter)
    inp = setup_inputs()
    o = reference(**inp)
    print(o.shape)

if __name__ == "__main__":
    import jax
    _d = setup_inputs()
    print(jax.jit(kernel)(*tuple(_d.values())))

</pallas_src>

<mosaic_0001>
#map = affine_map<(d0, d1) -> (0)>
module attributes {stable_mosaic.version = 14 : i64} {
  func.func @_route_body(%arg0: i32, %arg1: i32, %arg2: memref<16xf32, #tpu.memory_space<hbm>>, %arg3: memref<16xf32, #tpu.memory_space<hbm>>, %arg4: memref<32xi32, #tpu.memory_space<hbm>>, %arg5: memref<192xi32, #tpu.memory_space<hbm>>, %arg6: memref<192xf32, #tpu.memory_space<hbm>>, %arg7: memref<16xf32, #tpu.memory_space<vmem>>, %arg8: memref<16xf32, #tpu.memory_space<vmem>>, %arg9: memref<32xi32, #tpu.memory_space<vmem>>, %arg10: memref<192xi32, #tpu.memory_space<vmem>>, %arg11: memref<192xf32, #tpu.memory_space<vmem>>) attributes {dimension_semantics = [#tpu.dimension_semantics<core_parallel>, #tpu.dimension_semantics<subcore_parallel>], iteration_bounds = array<i64: 2, 16>, scalar_prefetch = 0 : i64, scratch_operands = 5 : i64, tpu.core_type = #tpu.core_type<sc_vector_subcore>, window_params = [{transform_indices = #map}, {transform_indices = #map}, {transform_indices = #map}, {transform_indices = #map}, {transform_indices = #map}]} {
    %eq3A = arith.constant 0 : i32
    %eq3A_0 = arith.cmpi eq, %arg0, %eq3A : i32
    %eq3A_1 = arith.constant 0 : i32
    %eq3A_2 = arith.cmpi eq, %arg1, %eq3A_1 : i32
    %and3A = arith.andi %eq3A_0, %eq3A_2 : i1
    %convert_element_type3A = arith.extui %and3A : i1 to i32
    %cond3A = arith.constant 0 : i32
    %cond3A_3 = arith.cmpi ne, %convert_element_type3A, %cond3A : i32
    scf.if %cond3A_3 {
      "tpu.region"() ({
        %run_scoped3A = tpu.sem_alloc : memref<!tpu.dma_semaphore, #tpu.memory_space<semaphore_mem>>
        tpu.enqueue_dma source(%arg2 : memref<16xf32, #tpu.memory_space<hbm>>) target(%arg7 : memref<16xf32, #tpu.memory_space<vmem>>) target_semaphore(%run_scoped3A : memref<!tpu.dma_semaphore, #tpu.memory_space<semaphore_mem>>)
        tpu.wait_dma2 semaphore(%run_scoped3A : memref<!tpu.dma_semaphore, #tpu.memory_space<semaphore_mem>>) src(%arg2 : memref<16xf32, #tpu.memory_space<hbm>>) dst(%arg7 : memref<16xf32, #tpu.memory_space<vmem>>)
        tpu.yield
      }) : () -> ()
      "tpu.region"() ({
        %run_scoped3A = tpu.sem_alloc : memref<!tpu.dma_semaphore, #tpu.memory_space<semaphore_mem>>
        tpu.enqueue_dma source(%arg3 : memref<16xf32, #tpu.memory_space<hbm>>) target(%arg8 : memref<16xf32, #tpu.memory_space<vmem>>) target_semaphore(%run_scoped3A : memref<!tpu.dma_semaphore, #tpu.memory_space<semaphore_mem>>)
        tpu.wait_dma2 semaphore(%run_scoped3A : memref<!tpu.dma_semaphore, #tpu.memory_space<semaphore_mem>>) src(%arg3 : memref<16xf32, #tpu.memory_space<hbm>>) dst(%arg8 : memref<16xf32, #tpu.memory_space<vmem>>)
        tpu.yield
      }) : () -> ()
      "tpu.region"() ({
        %run_scoped3A = tpu.sem_alloc : memref<!tpu.dma_semaphore, #tpu.memory_space<semaphore_mem>>
        tpu.enqueue_dma source(%arg4 : memref<32xi32, #tpu.memory_space<hbm>>) target(%arg9 : memref<32xi32, #tpu.memory_space<vmem>>) target_semaphore(%run_scoped3A : memref<!tpu.dma_semaphore, #tpu.memory_space<semaphore_mem>>)
        tpu.wait_dma2 semaphore(%run_scoped3A : memref<!tpu.dma_semaphore, #tpu.memory_space<semaphore_mem>>) src(%arg4 : memref<32xi32, #tpu.memory_space<hbm>>) dst(%arg9 : memref<32xi32, #tpu.memory_space<vmem>>)
        tpu.yield
      }) : () -> ()
      "tpu.region"() ({
        %run_scoped3A = tpu.sem_alloc : memref<!tpu.dma_semaphore, #tpu.memory_space<semaphore_mem>>
        tpu.enqueue_dma source(%arg5 : memref<192xi32, #tpu.memory_space<hbm>>) target(%arg10 : memref<192xi32, #tpu.memory_space<vmem>>) target_semaphore(%run_scoped3A : memref<!tpu.dma_semaphore, #tpu.memory_space<semaphore_mem>>)
        tpu.wait_dma2 semaphore(%run_scoped3A : memref<!tpu.dma_semaphore, #tpu.memory_space<semaphore_mem>>) src(%arg5 : memref<192xi32, #tpu.memory_space<hbm>>) dst(%arg10 : memref<192xi32, #tpu.memory_space<vmem>>)
        tpu.yield
      }) : () -> ()
      %iota3A = tpu.iota {dimensions = array<i32: 0>} : vector<16xi32>
      %broadcast_in_dim3A = arith.constant 0 : i32
      %broadcast_in_dim3A_4 = vector.broadcast %broadcast_in_dim3A : i32 to vector<16xi32>
      %add3A = arith.constant 1 : i32
      %add3A_5 = vector.broadcast %add3A : i32 to vector<16xi32>
      %add3A_6 = arith.addi %broadcast_in_dim3A_4, %add3A_5 : vector<16xi32>
      %gather3A = tpu.vector_load_idx %arg7[%add3A_6] : memref<16xf32, #tpu.memory_space<vmem>>[vector<16xi32>], vector<16xf32>,
      %add3A_7 = arith.constant 2 : i32
      %add3A_8 = vector.broadcast %add3A_7 : i32 to vector<16xi32>
      %add3A_9 = arith.addi %broadcast_in_dim3A_4, %add3A_8 : vector<16xi32>
      %gather3A_10 = tpu.vector_load_idx %arg7[%add3A_9] : memref<16xf32, #tpu.memory_space<vmem>>[vector<16xi32>], vector<16xf32>,
      %add3A_11 = arith.constant 1 : i32
      %add3A_12 = vector.broadcast %add3A_11 : i32 to vector<16xi32>
      %add3A_13 = arith.addi %broadcast_in_dim3A_4, %add3A_12 : vector<16xi32>
      %gather3A_14 = tpu.vector_load_idx %arg8[%add3A_13] : memref<16xf32, #tpu.memory_space<vmem>>[vector<16xi32>], vector<16xf32>,
      %bitcast3A = vector.bitcast %gather3A_10 : vector<16xf32> to vector<16xi32>
      %shift_right_arithmetic3A = arith.constant 1 : i32
      %shift_right_arithmetic3A_15 = vector.broadcast %shift_right_arithmetic3A : i32 to vector<16xi32>
      %shift_right_arithmetic3A_16 = arith.shrsi %bitcast3A, %shift_right_arithmetic3A_15 : vector<16xi32>
      %add3A_17 = arith.constant 532487669 : i32
      %add3A_18 = vector.broadcast %add3A_17 : i32 to vector<16xi32>
      %add3A_19 = arith.addi %shift_right_arithmetic3A_16, %add3A_18 : vector<16xi32>
      %bitcast3A_20 = vector.bitcast %add3A_19 : vector<16xi32> to vector<16xf32>
      %div3A = arith.divf %gather3A_10, %bitcast3A_20 : vector<16xf32>
      %add3A_21 = arith.addf %bitcast3A_20, %div3A : vector<16xf32>
      %mul3A = arith.constant 5.000000e-01 : f32
      %mul3A_22 = vector.broadcast %mul3A : f32 to vector<16xf32>
      %mul3A_23 = arith.mulf %mul3A_22, %add3A_21 : vector<16xf32>
      %div3A_24 = arith.divf %gather3A_10, %mul3A_23 : vector<16xf32>
      %add3A_25 = arith.addf %mul3A_23, %div3A_24 : vector<16xf32>
      %mul3A_26 = arith.constant 5.000000e-01 : f32
      %mul3A_27 = vector.broadcast %mul3A_26 : f32 to vector<16xf32>
      %mul3A_28 = arith.mulf %mul3A_27, %add3A_25 : vector<16xf32>
      %div3A_29 = arith.divf %gather3A_10, %mul3A_28 : vector<16xf32>
      %add3A_30 = arith.addf %mul3A_28, %div3A_29 : vector<16xf32>
      %mul3A_31 = arith.constant 5.000000e-01 : f32
      %mul3A_32 = vector.broadcast %mul3A_31 : f32 to vector<16xf32>
      %mul3A_33 = arith.mulf %mul3A_32, %add3A_30 : vector<16xf32>
      %div3A_34 = arith.divf %gather3A_10, %mul3A_33 : vector<16xf32>
      %add3A_35 = arith.addf %mul3A_33, %div3A_34 : vector<16xf32>
      %mul3A_36 = arith.constant 5.000000e-01 : f32
      %mul3A_37 = vector.broadcast %mul3A_36 : f32 to vector<16xf32>
      %mul3A_38 = arith.mulf %mul3A_37, %add3A_35 : vector<16xf32>
      %div3A_39 = arith.divf %gather3A_10, %mul3A_38 : vector<16xf32>
      %add3A_40 = arith.addf %mul3A_38, %div3A_39 : vector<16xf32>
      %mul3A_41 = arith.constant 5.000000e-01 : f32
      %mul3A_42 = vector.broadcast %mul3A_41 : f32 to vector<16xf32>
      %mul3A_43 = arith.mulf %mul3A_42, %add3A_40 : vector<16xf32>
      %div3A_44 = arith.divf %gather3A, %mul3A_43 : vector<16xf32>
      %add3A_45 = arith.addf %div3A_44, %gather3A_14 : vector<16xf32>
      %div3A_46 = arith.constant 5.000000e-02 : f32
      %div3A_47 = vector.broadcast %div3A_46 : f32 to vector<16xf32>
      %div3A_48 = arith.divf %add3A_45, %div3A_47 : vector<16xf32>
      %convert_element_type3A_49 = arith.fptosi %div3A_48 : vector<16xf32> to vector<16xi32>
      %convert_element_type3A_50 = arith.sitofp %convert_element_type3A_49 : vector<16xi32> to vector<16xf32>
      %gt3A = arith.cmpf ogt, %convert_element_type3A_50, %div3A_48 : vector<16xf32>
      %sub3A = arith.constant 1 : i32
      %sub3A_51 = vector.broadcast %sub3A : i32 to vector<16xi32>
      %sub3A_52 = arith.subi %convert_element_type3A_49, %sub3A_51 : vector<16xi32>
      %select_n3A = arith.select %gt3A, %sub3A_52, %convert_element_type3A_49 : vector<16xi1>, vector<16xi32>
      %lt3A = arith.constant 0 : i32
      %lt3A_53 = vector.broadcast %lt3A : i32 to vector<16xi32>
      %lt3A_54 = arith.cmpi slt, %select_n3A, %lt3A_53 : vector<16xi32>
      %neg3A = arith.constant 0 : i32
      %neg3A_55 = vector.broadcast %neg3A : i32 to vector<16xi32>
      %neg3A_56 = arith.subi %neg3A_55, %select_n3A : vector<16xi32>
      %select_n3A_57 = arith.select %lt3A_54, %neg3A_56, %select_n3A : vector<16xi1>, vector<16xi32>
      %jit3A = arith.constant 16 : i32
      %eq3A_58 = arith.constant 0 : i32
      %eq3A_59 = arith.cmpi eq, %jit3A, %eq3A_58 : i32
      %jit3A_60 = arith.constant 1 : i32
      %select_n3A_61 = arith.select %eq3A_59, %jit3A_60, %jit3A : i32
      %rem3A = vector.broadcast %select_n3A_61 : i32 to vector<16xi32>
      %rem3A_62 = arith.remsi %select_n3A_57, %rem3A : vector<16xi32>
      %ne3A = arith.constant 0 : i32
      %ne3A_63 = vector.broadcast %ne3A : i32 to vector<16xi32>
      %ne3A_64 = arith.cmpi ne, %rem3A_62, %ne3A_63 : vector<16xi32>
      %lt3A_65 = arith.constant 0 : i32
      %lt3A_66 = vector.broadcast %lt3A_65 : i32 to vector<16xi32>
      %lt3A_67 = arith.cmpi slt, %rem3A_62, %lt3A_66 : vector<16xi32>
      %lt3A_68 = arith.constant 0 : i32
      %lt3A_69 = arith.cmpi slt, %select_n3A_61, %lt3A_68 : i32
      %ne3A_70 = vector.broadcast %lt3A_69 : i1 to vector<16xi1>
      %ne3A_71 = vector.broadcast %ne3A_70 : vector<16xi1> to vector<16xi1>
      %ne3A_72 = arith.xori %lt3A_67, %ne3A_71 : vector<16xi1>
      %and3A_73 = arith.andi %ne3A_72, %ne3A_64 : vector<16xi1>
      %add3A_74 = vector.broadcast %select_n3A_61 : i32 to vector<16xi32>
      %add3A_75 = arith.addi %rem3A_62, %add3A_74 : vector<16xi32>
      %select_n3A_76 = arith.select %and3A_73, %add3A_75, %rem3A_62 : vector<16xi1>, vector<16xi32>
      %gather3A_77 = tpu.vector_load_idx %arg9[%select_n3A_76] : memref<32xi32, #tpu.memory_space<vmem>>[vector<16xi32>], vector<16xi32>,
      %add3A_78 = arith.constant 1 : i32
      %add3A_79 = vector.broadcast %add3A_78 : i32 to vector<16xi32>
      %add3A_80 = arith.addi %select_n3A_76, %add3A_79 : vector<16xi32>
      %gather3A_81 = tpu.vector_load_idx %arg9[%add3A_80] : memref<32xi32, #tpu.memory_space<vmem>>[vector<16xi32>], vector<16xi32>,
      %sub3A_82 = arith.subi %gather3A_81, %gather3A_77 : vector<16xi32>
      %gt3A_83 = arith.constant 0 : i32
      %gt3A_84 = vector.broadcast %gt3A_83 : i32 to vector<16xi32>
      %gt3A_85 = arith.cmpi sgt, %sub3A_82, %gt3A_84 : vector<16xi32>
      %jit3A_86 = arith.constant 1 : i32
      %broadcast_in_dim3A_87 = vector.broadcast %jit3A_86 : i32 to vector<16xi32>
      %select_n3A_88 = arith.select %gt3A_85, %sub3A_82, %broadcast_in_dim3A_87 : vector<16xi1>, vector<16xi32>
      %convert_element_type3A_89 = arith.sitofp %select_n3A_88 : vector<16xi32> to vector<16xf32>
      %gt3A_90 = arith.constant 0 : i32
      %gt3A_91 = vector.broadcast %gt3A_90 : i32 to vector<16xi32>
      %gt3A_92 = arith.cmpi sgt, %sub3A_82, %gt3A_91 : vector<16xi32>
      %div3A_93 = arith.constant 1.920000e+02 : f32
      %div3A_94 = vector.broadcast %div3A_93 : f32 to vector<16xf32>
      %div3A_95 = arith.divf %div3A_94, %convert_element_type3A_89 : vector<16xf32>
      %jit3A_96 = arith.constant 1.000000e+00 : f32
      %broadcast_in_dim3A_97 = vector.broadcast %jit3A_96 : f32 to vector<16xf32>
      %select_n3A_98 = arith.select %gt3A_92, %div3A_95, %broadcast_in_dim3A_97 : vector<16xi1>, vector<16xf32>
      %gt3A_99 = arith.constant 0 : i32
      %gt3A_100 = vector.broadcast %gt3A_99 : i32 to vector<16xi32>
      %gt3A_101 = arith.cmpi sgt, %sub3A_82, %gt3A_100 : vector<16xi32>
      %jit3A_102 = arith.constant 0.000000e+00 : f32
      %jit3A_103 = arith.constant 1.000000e+00 : f32
      %broadcast_in_dim3A_104 = vector.broadcast %jit3A_102 : f32 to vector<16xf32>
      %broadcast_in_dim3A_105 = vector.broadcast %jit3A_103 : f32 to vector<16xf32>
      %select_n3A_106 = arith.select %gt3A_101, %broadcast_in_dim3A_104, %broadcast_in_dim3A_105 : vector<16xi1>, vector<16xf32>
      %swap3A = arith.constant 0 : index
      %swap3A_107 = tpu.vector_load %arg11[%swap3A] {strides = array<i32>} : memref<192xf32, #tpu.memory_space<vmem>>, vector<16xf32>,
      tpu.vector_store %arg11[%swap3A], %select_n3A_106 {strides = array<i32>} : memref<192xf32, #tpu.memory_space<vmem>>, vector<16xf32>,
      %swap3A_108 = arith.constant 16 : index
      %swap3A_109 = tpu.vector_load %arg11[%swap3A_108] {strides = array<i32>} : memref<192xf32, #tpu.memory_space<vmem>>, vector<16xf32>,
      tpu.vector_store %arg11[%swap3A_108], %select_n3A_106 {strides = array<i32>} : memref<192xf32, #tpu.memory_space<vmem>>, vector<16xf32>,
      %swap3A_110 = arith.constant 32 : index
      %swap3A_111 = tpu.vector_load %arg11[%swap3A_110] {strides = array<i32>} : memref<192xf32, #tpu.memory_space<vmem>>, vector<16xf32>,
      tpu.vector_store %arg11[%swap3A_110], %select_n3A_106 {strides = array<i32>} : memref<192xf32, #tpu.memory_space<vmem>>, vector<16xf32>,
      %swap3A_112 = arith.constant 48 : index
      %swap3A_113 = tpu.vector_load %arg11[%swap3A_112] {strides = array<i32>} : memref<192xf32, #tpu.memory_space<vmem>>, vector<16xf32>,
      tpu.vector_store %arg11[%swap3A_112], %select_n3A_106 {strides = array<i32>} : memref<192xf32, #tpu.memory_space<vmem>>, vector<16xf32>,
      %swap3A_114 = arith.constant 64 : index
      %swap3A_115 = tpu.vector_load %arg11[%swap3A_114] {strides = array<i32>} : memref<192xf32, #tpu.memory_space<vmem>>, vector<16xf32>,
      tpu.vector_store %arg11[%swap3A_114], %select_n3A_106 {strides = array<i32>} : memref<192xf32, #tpu.memory_space<vmem>>, vector<16xf32>,
      %swap3A_116 = arith.constant 80 : index
      %swap3A_117 = tpu.vector_load %arg11[%swap3A_116] {strides = array<i32>} : memref<192xf32, #tpu.memory_space<vmem>>, vector<16xf32>,
      tpu.vector_store %arg11[%swap3A_116], %select_n3A_106 {strides = array<i32>} : memref<192xf32, #tpu.memory_space<vmem>>, vector<16xf32>,
      %swap3A_118 = arith.constant 96 : index
      %swap3A_119 = tpu.vector_load %arg11[%swap3A_118] {strides = array<i32>} : memref<192xf32, #tpu.memory_space<vmem>>, vector<16xf32>,
      tpu.vector_store %arg11[%swap3A_118], %select_n3A_106 {strides = array<i32>} : memref<192xf32, #tpu.memory_space<vmem>>, vector<16xf32>,
      %swap3A_120 = arith.constant 112 : index
      %swap3A_121 = tpu.vector_load %arg11[%swap3A_120] {strides = array<i32>} : memref<192xf32, #tpu.memory_space<vmem>>, vector<16xf32>,
      tpu.vector_store %arg11[%swap3A_120], %select_n3A_106 {strides = array<i32>} : memref<192xf32, #tpu.memory_space<vmem>>, vector<16xf32>,
      %swap3A_122 = arith.constant 128 : index
      %swap3A_123 = tpu.vector_load %arg11[%swap3A_122] {strides = array<i32>} : memref<192xf32, #tpu.memory_space<vmem>>, vector<16xf32>,
      tpu.vector_store %arg11[%swap3A_122], %select_n3A_106 {strides = array<i32>} : memref<192xf32, #tpu.memory_space<vmem>>, vector<16xf32>,
      %swap3A_124 = arith.constant 144 : index
      %swap3A_125 = tpu.vector_load %arg11[%swap3A_124] {strides = array<i32>} : memref<192xf32, #tpu.memory_space<vmem>>, vector<16xf32>,
      tpu.vector_store %arg11[%swap3A_124], %select_n3A_106 {strides = array<i32>} : memref<192xf32, #tpu.memory_space<vmem>>, vector<16xf32>,
      %swap3A_126 = arith.constant 160 : index
      %swap3A_127 = tpu.vector_load %arg11[%swap3A_126] {strides = array<i32>} : memref<192xf32, #tpu.memory_space<vmem>>, vector<16xf32>,
      tpu.vector_store %arg11[%swap3A_126], %select_n3A_106 {strides = array<i32>} : memref<192xf32, #tpu.memory_space<vmem>>, vector<16xf32>,
      %swap3A_128 = arith.constant 176 : index
      %swap3A_129 = tpu.vector_load %arg11[%swap3A_128] {strides = array<i32>} : memref<192xf32, #tpu.memory_space<vmem>>, vector<16xf32>,
      tpu.vector_store %arg11[%swap3A_128], %select_n3A_106 {strides = array<i32>} : memref<192xf32, #tpu.memory_space<vmem>>, vector<16xf32>,
      %add3A_130 = arith.constant 0 : i32
      %add3A_131 = vector.broadcast %add3A_130 : i32 to vector<16xi32>
      %add3A_132 = arith.addi %iota3A, %add3A_131 : vector<16xi32>
      %ge3A = arith.cmpi sge, %add3A_132, %gather3A_77 : vector<16xi32>
      %lt3A_133 = arith.cmpi slt, %add3A_132, %gather3A_81 : vector<16xi32>
      %and3A_134 = arith.andi %ge3A, %lt3A_133 : vector<16xi1>
      %get3A = arith.constant 0 : index
      %get3A_135 = tpu.vector_load %arg10[%get3A] {strides = array<i32>} : memref<192xi32, #tpu.memory_space<vmem>>, vector<16xi32>,
      tpu.vector_store_idx %arg11[%get3A_135], %select_n3A_98 masked %and3A_134 : memref<192xf32, #tpu.memory_space<vmem>>[vector<16xi32>], vector<16xf32>, vector<16xi1>
      %add3A_136 = arith.constant 16 : i32
      %add3A_137 = vector.broadcast %add3A_136 : i32 to vector<16xi32>
      %add3A_138 = arith.addi %iota3A, %add3A_137 : vector<16xi32>
      %ge3A_139 = arith.cmpi sge, %add3A_138, %gather3A_77 : vector<16xi32>
      %lt3A_140 = arith.cmpi slt, %add3A_138, %gather3A_81 : vector<16xi32>
      %and3A_141 = arith.andi %ge3A_139, %lt3A_140 : vector<16xi1>
      %get3A_142 = arith.constant 16 : index
      %get3A_143 = tpu.vector_load %arg10[%get3A_142] {strides = array<i32>} : memref<192xi32, #tpu.memory_space<vmem>>, vector<16xi32>,
      tpu.vector_store_idx %arg11[%get3A_143], %select_n3A_98 masked %and3A_141 : memref<192xf32, #tpu.memory_space<vmem>>[vector<16xi32>], vector<16xf32>, vector<16xi1>
      %add3A_144 = arith.constant 32 : i32
      %add3A_145 = vector.broadcast %add3A_144 : i32 to vector<16xi32>
      %add3A_146 = arith.addi %iota3A, %add3A_145 : vector<16xi32>
      %ge3A_147 = arith.cmpi sge, %add3A_146, %gather3A_77 : vector<16xi32>
      %lt3A_148 = arith.cmpi slt, %add3A_146, %gather3A_81 : vector<16xi32>
      %and3A_149 = arith.andi %ge3A_147, %lt3A_148 : vector<16xi1>
      %get3A_150 = arith.constant 32 : index
      %get3A_151 = tpu.vector_load %arg10[%get3A_150] {strides = array<i32>} : memref<192xi32, #tpu.memory_space<vmem>>, vector<16xi32>,
      tpu.vector_store_idx %arg11[%get3A_151], %select_n3A_98 masked %and3A_149 : memref<192xf32, #tpu.memory_space<vmem>>[vector<16xi32>], vector<16xf32>, vector<16xi1>
      %add3A_152 = arith.constant 48 : i32
      %add3A_153 = vector.broadcast %add3A_152 : i32 to vector<16xi32>
      %add3A_154 = arith.addi %iota3A, %add3A_153 : vector<16xi32>
      %ge3A_155 = arith.cmpi sge, %add3A_154, %gather3A_77 : vector<16xi32>
      %lt3A_156 = arith.cmpi slt, %add3A_154, %gather3A_81 : vector<16xi32>
      %and3A_157 = arith.andi %ge3A_155, %lt3A_156 : vector<16xi1>
      %get3A_158 = arith.constant 48 : index
      %get3A_159 = tpu.vector_load %arg10[%get3A_158] {strides = array<i32>} : memref<192xi32, #tpu.memory_space<vmem>>, vector<16xi32>,
      tpu.vector_store_idx %arg11[%get3A_159], %select_n3A_98 masked %and3A_157 : memref<192xf32, #tpu.memory_space<vmem>>[vector<16xi32>], vector<16xf32>, vector<16xi1>
      %add3A_160 = arith.constant 64 : i32
      %add3A_161 = vector.broadcast %add3A_160 : i32 to vector<16xi32>
      %add3A_162 = arith.addi %iota3A, %add3A_161 : vector<16xi32>
      %ge3A_163 = arith.cmpi sge, %add3A_162, %gather3A_77 : vector<16xi32>
      %lt3A_164 = arith.cmpi slt, %add3A_162, %gather3A_81 : vector<16xi32>
      %and3A_165 = arith.andi %ge3A_163, %lt3A_164 : vector<16xi1>
      %get3A_166 = arith.constant 64 : index
      %get3A_167 = tpu.vector_load %arg10[%get3A_166] {strides = array<i32>} : memref<192xi32, #tpu.memory_space<vmem>>, vector<16xi32>,
      tpu.vector_store_idx %arg11[%get3A_167], %select_n3A_98 masked %and3A_165 : memref<192xf32, #tpu.memory_space<vmem>>[vector<16xi32>], vector<16xf32>, vector<16xi1>
      %add3A_168 = arith.constant 80 : i32
      %add3A_169 = vector.broadcast %add3A_168 : i32 to vector<16xi32>
      %add3A_170 = arith.addi %iota3A, %add3A_169 : vector<16xi32>
      %ge3A_171 = arith.cmpi sge, %add3A_170, %gather3A_77 : vector<16xi32>
      %lt3A_172 = arith.cmpi slt, %add3A_170, %gather3A_81 : vector<16xi32>
      %and3A_173 = arith.andi %ge3A_171, %lt3A_172 : vector<16xi1>
      %get3A_174 = arith.constant 80 : index
      %get3A_175 = tpu.vector_load %arg10[%get3A_174] {strides = array<i32>} : memref<192xi32, #tpu.memory_space<vmem>>, vector<16xi32>,
      tpu.vector_store_idx %arg11[%get3A_175], %select_n3A_98 masked %and3A_173 : memref<192xf32, #tpu.memory_space<vmem>>[vector<16xi32>], vector<16xf32>, vector<16xi1>
      %add3A_176 = arith.constant 96 : i32
      %add3A_177 = vector.broadcast %add3A_176 : i32 to vector<16xi32>
      %add3A_178 = arith.addi %iota3A, %add3A_177 : vector<16xi32>
      %ge3A_179 = arith.cmpi sge, %add3A_178, %gather3A_77 : vector<16xi32>
      %lt3A_180 = arith.cmpi slt, %add3A_178, %gather3A_81 : vector<16xi32>
      %and3A_181 = arith.andi %ge3A_179, %lt3A_180 : vector<16xi1>
      %get3A_182 = arith.constant 96 : index
      %get3A_183 = tpu.vector_load %arg10[%get3A_182] {strides = array<i32>} : memref<192xi32, #tpu.memory_space<vmem>>, vector<16xi32>,
      tpu.vector_store_idx %arg11[%get3A_183], %select_n3A_98 masked %and3A_181 : memref<192xf32, #tpu.memory_space<vmem>>[vector<16xi32>], vector<16xf32>, vector<16xi1>
      %add3A_184 = arith.constant 112 : i32
      %add3A_185 = vector.broadcast %add3A_184 : i32 to vector<16xi32>
      %add3A_186 = arith.addi %iota3A, %add3A_185 : vector<16xi32>
      %ge3A_187 = arith.cmpi sge, %add3A_186, %gather3A_77 : vector<16xi32>
      %lt3A_188 = arith.cmpi slt, %add3A_186, %gather3A_81 : vector<16xi32>
      %and3A_189 = arith.andi %ge3A_187, %lt3A_188 : vector<16xi1>
      %get3A_190 = arith.constant 112 : index
      %get3A_191 = tpu.vector_load %arg10[%get3A_190] {strides = array<i32>} : memref<192xi32, #tpu.memory_space<vmem>>, vector<16xi32>,
      tpu.vector_store_idx %arg11[%get3A_191], %select_n3A_98 masked %and3A_189 : memref<192xf32, #tpu.memory_space<vmem>>[vector<16xi32>], vector<16xf32>, vector<16xi1>
      %add3A_192 = arith.constant 128 : i32
      %add3A_193 = vector.broadcast %add3A_192 : i32 to vector<16xi32>
      %add3A_194 = arith.addi %iota3A, %add3A_193 : vector<16xi32>
      %ge3A_195 = arith.cmpi sge, %add3A_194, %gather3A_77 : vector<16xi32>
      %lt3A_196 = arith.cmpi slt, %add3A_194, %gather3A_81 : vector<16xi32>
      %and3A_197 = arith.andi %ge3A_195, %lt3A_196 : vector<16xi1>
      %get3A_198 = arith.constant 128 : index
      %get3A_199 = tpu.vector_load %arg10[%get3A_198] {strides = array<i32>} : memref<192xi32, #tpu.memory_space<vmem>>, vector<16xi32>,
      tpu.vector_store_idx %arg11[%get3A_199], %select_n3A_98 masked %and3A_197 : memref<192xf32, #tpu.memory_space<vmem>>[vector<16xi32>], vector<16xf32>, vector<16xi1>
      %add3A_200 = arith.constant 144 : i32
      %add3A_201 = vector.broadcast %add3A_200 : i32 to vector<16xi32>
      %add3A_202 = arith.addi %iota3A, %add3A_201 : vector<16xi32>
      %ge3A_203 = arith.cmpi sge, %add3A_202, %gather3A_77 : vector<16xi32>
      %lt3A_204 = arith.cmpi slt, %add3A_202, %gather3A_81 : vector<16xi32>
      %and3A_205 = arith.andi %ge3A_203, %lt3A_204 : vector<16xi1>
      %get3A_206 = arith.constant 144 : index
      %get3A_207 = tpu.vector_load %arg10[%get3A_206] {strides = array<i32>} : memref<192xi32, #tpu.memory_space<vmem>>, vector<16xi32>,
      tpu.vector_store_idx %arg11[%get3A_207], %select_n3A_98 masked %and3A_205 : memref<192xf32, #tpu.memory_space<vmem>>[vector<16xi32>], vector<16xf32>, vector<16xi1>
      %add3A_208 = arith.constant 160 : i32
      %add3A_209 = vector.broadcast %add3A_208 : i32 to vector<16xi32>
      %add3A_210 = arith.addi %iota3A, %add3A_209 : vector<16xi32>
      %ge3A_211 = arith.cmpi sge, %add3A_210, %gather3A_77 : vector<16xi32>
      %lt3A_212 = arith.cmpi slt, %add3A_210, %gather3A_81 : vector<16xi32>
      %and3A_213 = arith.andi %ge3A_211, %lt3A_212 : vector<16xi1>
      %get3A_214 = arith.constant 160 : index
      %get3A_215 = tpu.vector_load %arg10[%get3A_214] {strides = array<i32>} : memref<192xi32, #tpu.memory_space<vmem>>, vector<16xi32>,
      tpu.vector_store_idx %arg11[%get3A_215], %select_n3A_98 masked %and3A_213 : memref<192xf32, #tpu.memory_space<vmem>>[vector<16xi32>], vector<16xf32>, vector<16xi1>
      %add3A_216 = arith.constant 176 : i32
      %add3A_217 = vector.broadcast %add3A_216 : i32 to vector<16xi32>
      %add3A_218 = arith.addi %iota3A, %add3A_217 : vector<16xi32>
      %ge3A_219 = arith.cmpi sge, %add3A_218, %gather3A_77 : vector<16xi32>
      %lt3A_220 = arith.cmpi slt, %add3A_218, %gather3A_81 : vector<16xi32>
      %and3A_221 = arith.andi %ge3A_219, %lt3A_220 : vector<16xi1>
      %get3A_222 = arith.constant 176 : index
      %get3A_223 = tpu.vector_load %arg10[%get3A_222] {strides = array<i32>} : memref<192xi32, #tpu.memory_space<vmem>>, vector<16xi32>,
      tpu.vector_store_idx %arg11[%get3A_223], %select_n3A_98 masked %and3A_221 : memref<192xf32, #tpu.memory_space<vmem>>[vector<16xi32>], vector<16xf32>, vector<16xi1>
      "tpu.region"() ({
        %run_scoped3A = tpu.sem_alloc : memref<!tpu.dma_semaphore, #tpu.memory_space<semaphore_mem>>
        tpu.enqueue_dma source(%arg11 : memref<192xf32, #tpu.memory_space<vmem>>) target(%arg6 : memref<192xf32, #tpu.memory_space<hbm>>) target_semaphore(%run_scoped3A : memref<!tpu.dma_semaphore, #tpu.memory_space<semaphore_mem>>)
        tpu.wait_dma2 semaphore(%run_scoped3A : memref<!tpu.dma_semaphore, #tpu.memory_space<semaphore_mem>>) src(%arg11 : memref<192xf32, #tpu.memory_space<vmem>>) dst(%arg6 : memref<192xf32, #tpu.memory_space<hbm>>)
        tpu.yield
      }) : () -> ()
    } else {
    }
    return
  }
}

module attributes {stable_mosaic.version = 14 : i64} {
  func.func @_stats_body(%arg0: i32, %arg1: memref<8x224x224xf32, #tpu.memory_space<vmem>>, %arg2: memref<8x16xf32, #tpu.memory_space<vmem>>, %arg3: memref<8x128xf32, #tpu.memory_space<vmem>>, %arg4: memref<226x8x226xf32, #tpu.memory_space<vmem>>) attributes {dimension_semantics = [#tpu.dimension_semantics<arbitrary>], iteration_bounds = array<i64: 12>, scalar_prefetch = 0 : i64, scratch_operands = 0 : i64, tpu.core_type = #tpu.core_type<tc>, window_params = [{transform_indices = @transform_0, window_bounds = array<i64: 8, 224, 224>}, {transform_indices = @transform_1, window_bounds = array<i64: 8, 16>}, {pipeline_mode = #tpu.pipeline_mode<synchronous>, transform_indices = @transform_2, window_bounds = array<i64: 8, 128>}, {transform_indices = @transform_3, window_bounds = array<i64: 226, 8, 226>}]} {
    %get3A = arith.constant 0 : index
    %get3A_0 = arith.constant 0 : index
    %get3A_1 = arith.constant 0 : index
    %get3A_2 = vector.load %arg1[%get3A, %get3A_0, %get3A_1] : memref<8x224x224xf32, #tpu.memory_space<vmem>>, vector<8x224x224xf32>
    %transpose3A = tpu.transpose %get3A_2, [1, 0, 2] : vector<8x224x224xf32> -> vector<224x8x224xf32>
    %jit3A = arith.constant 0 : i32
    %convert_element_type3A = arith.sitofp %jit3A : i32 to f32
    %pad3A = vector.broadcast %convert_element_type3A : f32 to vector<1x8x224xf32>
    %pad3A_3 = tpu.concatenate %pad3A, %transpose3A in 0 : vector<1x8x224xf32>, vector<224x8x224xf32> -> vector<225x8x224xf32>
    %pad3A_4 = vector.broadcast %convert_element_type3A : f32 to vector<1x8x224xf32>
    %pad3A_5 = tpu.concatenate %pad3A_3, %pad3A_4 in 0 : vector<225x8x224xf32>, vector<1x8x224xf32> -> vector<226x8x224xf32>
    %pad3A_6 = vector.broadcast %convert_element_type3A : f32 to vector<226x8x1xf32>
    %pad3A_7 = tpu.concatenate %pad3A_6, %pad3A_5 in 2 : vector<226x8x1xf32>, vector<226x8x224xf32> -> vector<226x8x225xf32>
    %pad3A_8 = vector.broadcast %convert_element_type3A : f32 to vector<226x8x1xf32>
    %pad3A_9 = tpu.concatenate %pad3A_7, %pad3A_8 in 2 : vector<226x8x225xf32>, vector<226x8x1xf32> -> vector<226x8x226xf32>
    %swap3A = arith.constant 0 : index
    %swap3A_10 = arith.constant 0 : index
    %swap3A_11 = arith.constant 0 : index
    %swap3A_12 = vector.load %arg4[%swap3A, %swap3A_10, %swap3A_11] : memref<226x8x226xf32, #tpu.memory_space<vmem>>, vector<226x8x226xf32>
    tpu.vector_store %arg4[%swap3A, %swap3A_10, %swap3A_11], %pad3A_9 {strides = array<i32>} : memref<226x8x226xf32, #tpu.memory_space<vmem>>, vector<226x8x226xf32>,
    %get3A_13 = arith.constant 0 : index
    %get3A_14 = arith.constant 0 : index
    %get3A_15 = vector.load %arg2[%get3A_13, %get3A_14] : memref<8x16xf32, #tpu.memory_space<vmem>>, vector<8x16xf32>
    %iota3A = tpu.iota {dimensions = array<i32: 1>} : vector<8x224x224xi32>
    %le3A = arith.constant 222 : i32
    %le3A_16 = vector.broadcast %le3A : i32 to vector<8x224x224xi32>
    %le3A_17 = arith.cmpi sle, %iota3A, %le3A_16 : vector<8x224x224xi32>
    %jit3A_18 = arith.constant -3.000000e+38 : f32
    %broadcast_in_dim3A = vector.broadcast %jit3A_18 : f32 to vector<8x224x224xf32>
    %select_n3A = arith.select %le3A_17, %get3A_2, %broadcast_in_dim3A : vector<8x224x224xi1>, vector<8x224x224xf32>
    %reduce_max3A = arith.constant dense<0xFF800000> : vector<8x224xf32>
    %reduce_max3A_19 = vector.multi_reduction <maximumf>, %select_n3A, %reduce_max3A [1] : vector<8x224x224xf32> to vector<8x224xf32>
    %reduce_max3A_20 = arith.constant dense<0xFF800000> : vector<8x224xf32>
    %reduce_max3A_21 = vector.multi_reduction <maximumf>, %get3A_2, %reduce_max3A_20 [1] : vector<8x224x224xf32> to vector<8x224xf32>
    %ge3A = arith.constant 1 : i32
    %ge3A_22 = vector.broadcast %ge3A : i32 to vector<8x224x224xi32>
    %ge3A_23 = arith.cmpi sge, %iota3A, %ge3A_22 : vector<8x224x224xi32>
    %jit3A_24 = arith.constant -3.000000e+38 : f32
    %broadcast_in_dim3A_25 = vector.broadcast %jit3A_24 : f32 to vector<8x224x224xf32>
    %select_n3A_26 = arith.select %ge3A_23, %get3A_2, %broadcast_in_dim3A_25 : vector<8x224x224xi1>, vector<8x224x224xf32>
    %reduce_max3A_27 = arith.constant dense<0xFF800000> : vector<8x224xf32>
    %reduce_max3A_28 = vector.multi_reduction <maximumf>, %select_n3A_26, %reduce_max3A_27 [1] : vector<8x224x224xf32> to vector<8x224xf32>
    %iota3A_29 = tpu.iota {dimensions = array<i32: 1>} : vector<8x224xi32>
    %le3A_30 = arith.constant 222 : i32
    %le3A_31 = vector.broadcast %le3A_30 : i32 to vector<8x224xi32>
    %le3A_32 = arith.cmpi sle, %iota3A_29, %le3A_31 : vector<8x224xi32>
    %ge3A_33 = arith.constant 0 : i32
    %ge3A_34 = vector.broadcast %ge3A_33 : i32 to vector<8x224xi32>
    %ge3A_35 = arith.cmpi sge, %iota3A_29, %ge3A_34 : vector<8x224xi32>
    %ge3A_36 = arith.constant 1 : i32
    %ge3A_37 = vector.broadcast %ge3A_36 : i32 to vector<8x224xi32>
    %ge3A_38 = arith.cmpi sge, %iota3A_29, %ge3A_37 : vector<8x224xi32>
    %jit3A_39 = arith.constant -3.000000e+38 : f32
    %broadcast_in_dim3A_40 = vector.broadcast %jit3A_39 : f32 to vector<8x224xf32>
    %select_n3A_41 = arith.select %le3A_32, %reduce_max3A_19, %broadcast_in_dim3A_40 : vector<8x224xi1>, vector<8x224xf32>
    %reduce_max3A_42 = arith.constant dense<0xFF800000> : vector<8xf32>
    %reduce_max3A_43 = vector.multi_reduction <maximumf>, %select_n3A_41, %reduce_max3A_42 [1] : vector<8x224xf32> to vector<8xf32>
    %max3A = arith.constant 0.000000e+00 : f32
    %max3A_44 = vector.broadcast %max3A : f32 to vector<8xf32>
    %max3A_45 = arith.maximumf %reduce_max3A_43, %max3A_44 : vector<8xf32>
    %jit3A_46 = arith.constant -3.000000e+38 : f32
    %broadcast_in_dim3A_47 = vector.broadcast %jit3A_46 : f32 to vector<8x224xf32>
    %select_n3A_48 = arith.select %ge3A_35, %reduce_max3A_19, %broadcast_in_dim3A_47 : vector<8x224xi1>, vector<8x224xf32>
    %reduce_max3A_49 = arith.constant dense<0xFF800000> : vector<8xf32>
    %reduce_max3A_50 = vector.multi_reduction <maximumf>, %select_n3A_48, %reduce_max3A_49 [1] : vector<8x224xf32> to vector<8xf32>
    %max3A_51 = arith.constant 0.000000e+00 : f32
    %max3A_52 = vector.broadcast %max3A_51 : f32 to vector<8xf32>
    %max3A_53 = arith.maximumf %reduce_max3A_50, %max3A_52 : vector<8xf32>
    %jit3A_54 = arith.constant -3.000000e+38 : f32
    %broadcast_in_dim3A_55 = vector.broadcast %jit3A_54 : f32 to vector<8x224xf32>
    %select_n3A_56 = arith.select %ge3A_38, %reduce_max3A_19, %broadcast_in_dim3A_55 : vector<8x224xi1>, vector<8x224xf32>
    %reduce_max3A_57 = arith.constant dense<0xFF800000> : vector<8xf32>
    %reduce_max3A_58 = vector.multi_reduction <maximumf>, %select_n3A_56, %reduce_max3A_57 [1] : vector<8x224xf32> to vector<8xf32>
    %max3A_59 = arith.constant 0.000000e+00 : f32
    %max3A_60 = vector.broadcast %max3A_59 : f32 to vector<8xf32>
    %max3A_61 = arith.maximumf %reduce_max3A_58, %max3A_60 : vector<8xf32>
    %jit3A_62 = arith.constant -3.000000e+38 : f32
    %broadcast_in_dim3A_63 = vector.broadcast %jit3A_62 : f32 to vector<8x224xf32>
    %select_n3A_64 = arith.select %le3A_32, %reduce_max3A_21, %broadcast_in_dim3A_63 : vector<8x224xi1>, vector<8x224xf32>
    %reduce_max3A_65 = arith.constant dense<0xFF800000> : vector<8xf32>
    %reduce_max3A_66 = vector.multi_reduction <maximumf>, %select_n3A_64, %reduce_max3A_65 [1] : vector<8x224xf32> to vector<8xf32>
    %max3A_67 = arith.constant 0.000000e+00 : f32
    %max3A_68 = vector.broadcast %max3A_67 : f32 to vector<8xf32>
    %max3A_69 = arith.maximumf %reduce_max3A_66, %max3A_68 : vector<8xf32>
    %jit3A_70 = arith.constant -3.000000e+38 : f32
    %broadcast_in_dim3A_71 = vector.broadcast %jit3A_70 : f32 to vector<8x224xf32>
    %select_n3A_72 = arith.select %ge3A_35, %reduce_max3A_21, %broadcast_in_dim3A_71 : vector<8x224xi1>, vector<8x224xf32>
    %reduce_max3A_73 = arith.constant dense<0xFF800000> : vector<8xf32>
    %reduce_max3A_74 = vector.multi_reduction <maximumf>, %select_n3A_72, %reduce_max3A_73 [1] : vector<8x224xf32> to vector<8xf32>
    %jit3A_75 = arith.constant -3.000000e+38 : f32
    %broadcast_in_dim3A_76 = vector.broadcast %jit3A_75 : f32 to vector<8x224xf32>
    %select_n3A_77 = arith.select %ge3A_38, %reduce_max3A_21, %broadcast_in_dim3A_76 : vector<8x224xi1>, vector<8x224xf32>
    %reduce_max3A_78 = arith.constant dense<0xFF800000> : vector<8xf32>
    %reduce_max3A_79 = vector.multi_reduction <maximumf>, %select_n3A_77, %reduce_max3A_78 [1] : vector<8x224xf32> to vector<8xf32>
    %max3A_80 = arith.constant 0.000000e+00 : f32
    %max3A_81 = vector.broadcast %max3A_80 : f32 to vector<8xf32>
    %max3A_82 = arith.maximumf %reduce_max3A_79, %max3A_81 : vector<8xf32>
    %jit3A_83 = arith.constant -3.000000e+38 : f32
    %broadcast_in_dim3A_84 = vector.broadcast %jit3A_83 : f32 to vector<8x224xf32>
    %select_n3A_85 = arith.select %le3A_32, %reduce_max3A_28, %broadcast_in_dim3A_84 : vector<8x224xi1>, vector<8x224xf32>
    %reduce_max3A_86 = arith.constant dense<0xFF800000> : vector<8xf32>
    %reduce_max3A_87 = vector.multi_reduction <maximumf>, %select_n3A_85, %reduce_max3A_86 [1] : vector<8x224xf32> to vector<8xf32>
    %max3A_88 = arith.constant 0.000000e+00 : f32
    %max3A_89 = vector.broadcast %max3A_88 : f32 to vector<8xf32>
    %max3A_90 = arith.maximumf %reduce_max3A_87, %max3A_89 : vector<8xf32>
    %jit3A_91 = arith.constant -3.000000e+38 : f32
    %broadcast_in_dim3A_92 = vector.broadcast %jit3A_91 : f32 to vector<8x224xf32>
    %select_n3A_93 = arith.select %ge3A_35, %reduce_max3A_28, %broadcast_in_dim3A_92 : vector<8x224xi1>, vector<8x224xf32>
    %reduce_max3A_94 = arith.constant dense<0xFF800000> : vector<8xf32>
    %reduce_max3A_95 = vector.multi_reduction <maximumf>, %select_n3A_93, %reduce_max3A_94 [1] : vector<8x224xf32> to vector<8xf32>
    %max3A_96 = arith.constant 0.000000e+00 : f32
    %max3A_97 = vector.broadcast %max3A_96 : f32 to vector<8xf32>
    %max3A_98 = arith.maximumf %reduce_max3A_95, %max3A_97 : vector<8xf32>
    %jit3A_99 = arith.constant -3.000000e+38 : f32
    %broadcast_in_dim3A_100 = vector.broadcast %jit3A_99 : f32 to vector<8x224xf32>
    %select_n3A_101 = arith.select %ge3A_38, %reduce_max3A_28, %broadcast_in_dim3A_100 : vector<8x224xi1>, vector<8x224xf32>
    %reduce_max3A_102 = arith.constant dense<0xFF800000> : vector<8xf32>
    %reduce_max3A_103 = vector.multi_reduction <maximumf>, %select_n3A_101, %reduce_max3A_102 [1] : vector<8x224xf32> to vector<8xf32>
    %max3A_104 = arith.constant 0.000000e+00 : f32
    %max3A_105 = vector.broadcast %max3A_104 : f32 to vector<8xf32>
    %max3A_106 = arith.maximumf %reduce_max3A_103, %max3A_105 : vector<8xf32>
    %stack3A = vector.shape_cast %max3A_45 : vector<8xf32> to vector<8x1xf32>
    %stack3A_107 = vector.shape_cast %max3A_53 : vector<8xf32> to vector<8x1xf32>
    %stack3A_108 = vector.shape_cast %max3A_61 : vector<8xf32> to vector<8x1xf32>
    %stack3A_109 = vector.shape_cast %max3A_69 : vector<8xf32> to vector<8x1xf32>
    %stack3A_110 = vector.shape_cast %reduce_max3A_74 : vector<8xf32> to vector<8x1xf32>
    %stack3A_111 = vector.shape_cast %max3A_82 : vector<8xf32> to vector<8x1xf32>
    %stack3A_112 = vector.shape_cast %max3A_90 : vector<8xf32> to vector<8x1xf32>
    %stack3A_113 = vector.shape_cast %max3A_98 : vector<8xf32> to vector<8x1xf32>
    %stack3A_114 = vector.shape_cast %max3A_106 : vector<8xf32> to vector<8x1xf32>
    %stack3A_115 = tpu.concatenate %stack3A, %stack3A_107, %stack3A_108, %stack3A_109, %stack3A_110, %stack3A_111, %stack3A_112, %stack3A_113, %stack3A_114 in 1 : vector<8x1xf32>, vector<8x1xf32>, vector<8x1xf32>, vector<8x1xf32>, vector<8x1xf32>, vector<8x1xf32>, vector<8x1xf32>, vector<8x1xf32>, vector<8x1xf32> -> vector<8x9xf32>
    %slice3A = vector.extract_strided_slice %get3A_15 {offsets = [0, 0], sizes = [8, 9], strides = [1, 1]} : vector<8x16xf32> to vector<8x9xf32>
    %mul3A = arith.mulf %stack3A_115, %slice3A : vector<8x9xf32>
    %reduce_sum3A = vector.shape_cast %mul3A : vector<8x9xf32> to vector<1x8x9xf32>
    %reduce_sum3A_116 = arith.constant dense<0.000000e+00> : vector<1xf32>
    %reduce_sum3A_117 = vector.multi_reduction <add>, %reduce_sum3A, %reduce_sum3A_116 [1, 2] : vector<1x8x9xf32> to vector<1xf32>
    %reduce_sum3A_118 = vector.shape_cast %reduce_sum3A_117 : vector<1xf32> to vector<1x1x1xf32>
    %reduce_sum3A_119 = vector.extract %reduce_sum3A_118[0, 0, 0] : f32 from vector<1x1x1xf32>
    %mul3A_120 = arith.mulf %stack3A_115, %stack3A_115 : vector<8x9xf32>
    %reduce_sum3A_121 = vector.shape_cast %mul3A_120 : vector<8x9xf32> to vector<1x8x9xf32>
    %reduce_sum3A_122 = arith.constant dense<0.000000e+00> : vector<1xf32>
    %reduce_sum3A_123 = vector.multi_reduction <add>, %reduce_sum3A_121, %reduce_sum3A_122 [1, 2] : vector<1x8x9xf32> to vector<1xf32>
    %reduce_sum3A_124 = vector.shape_cast %reduce_sum3A_123 : vector<1xf32> to vector<1x1x1xf32>
    %reduce_sum3A_125 = vector.extract %reduce_sum3A_124[0, 0, 0] : f32 from vector<1x1x1xf32>
    %eq3A = arith.constant 0 : i32
    %eq3A_126 = arith.cmpi eq, %arg0, %eq3A : i32
    %convert_element_type3A_127 = arith.extui %eq3A_126 : i1 to i32
    %cond3A = arith.constant 0 : i32
    %cond3A_128 = arith.cmpi ne, %convert_element_type3A_127, %cond3A : i32
    scf.if %cond3A_128 {
      %broadcast_in_dim3A_159 = arith.constant 0.000000e+00 : f32
      %broadcast_in_dim3A_160 = vector.broadcast %broadcast_in_dim3A_159 : f32 to vector<8x128xf32>
      %swap3A_161 = arith.constant 0 : index
      %swap3A_162 = arith.constant 0 : index
      %swap3A_163 = vector.load %arg3[%swap3A_161, %swap3A_162] : memref<8x128xf32, #tpu.memory_space<vmem>>, vector<8x128xf32>
      tpu.vector_store %arg3[%swap3A_161, %swap3A_162], %broadcast_in_dim3A_160 {strides = array<i32>} : memref<8x128xf32, #tpu.memory_space<vmem>>, vector<8x128xf32>,
    } else {
    }
    %iota3A_129 = tpu.iota {dimensions = array<i32: 1>} : vector<8x128xi32>
    %iota3A_130 = tpu.iota {dimensions = array<i32: 0>} : vector<8x128xi32>
    %eq3A_131 = arith.constant 0 : i32
    %eq3A_132 = vector.broadcast %eq3A_131 : i32 to vector<8x128xi32>
    %eq3A_133 = arith.cmpi eq, %iota3A_130, %eq3A_132 : vector<8x128xi32>
    %eq3A_134 = arith.constant 1 : i32
    %eq3A_135 = vector.broadcast %eq3A_134 : i32 to vector<8x128xi32>
    %eq3A_136 = arith.cmpi eq, %iota3A_129, %eq3A_135 : vector<8x128xi32>
    %and3A = arith.andi %eq3A_133, %eq3A_136 : vector<8x128xi1>
    %jit3A_137 = arith.constant 0.000000e+00 : f32
    %broadcast_in_dim3A_138 = vector.broadcast %reduce_sum3A_119 : f32 to vector<8x128xf32>
    %broadcast_in_dim3A_139 = vector.broadcast %jit3A_137 : f32 to vector<8x128xf32>
    %select_n3A_140 = arith.select %and3A, %broadcast_in_dim3A_138, %broadcast_in_dim3A_139 : vector<8x128xi1>, vector<8x128xf32>
    %eq3A_141 = arith.constant 0 : i32
    %eq3A_142 = vector.broadcast %eq3A_141 : i32 to vector<8x128xi32>
    %eq3A_143 = arith.cmpi eq, %iota3A_130, %eq3A_142 : vector<8x128xi32>
    %eq3A_144 = arith.constant 2 : i32
    %eq3A_145 = vector.broadcast %eq3A_144 : i32 to vector<8x128xi32>
    %eq3A_146 = arith.cmpi eq, %iota3A_129, %eq3A_145 : vector<8x128xi32>
    %and3A_147 = arith.andi %eq3A_143, %eq3A_146 : vector<8x128xi1>
    %jit3A_148 = arith.constant 0.000000e+00 : f32
    %broadcast_in_dim3A_149 = vector.broadcast %reduce_sum3A_125 : f32 to vector<8x128xf32>
    %broadcast_in_dim3A_150 = vector.broadcast %jit3A_148 : f32 to vector<8x128xf32>
    %select_n3A_151 = arith.select %and3A_147, %broadcast_in_dim3A_149, %broadcast_in_dim3A_150 : vector<8x128xi1>, vector<8x128xf32>
    %add3A = arith.addf %select_n3A_140, %select_n3A_151 : vector<8x128xf32>
    %get3A_152 = arith.constant 0 : index
    %get3A_153 = arith.constant 0 : index
    %get3A_154 = vector.load %arg3[%get3A_152, %get3A_153] : memref<8x128xf32, #tpu.memory_space<vmem>>, vector<8x128xf32>
    %add3A_155 = arith.addf %get3A_154, %add3A : vector<8x128xf32>
    %swap3A_156 = arith.constant 0 : index
    %swap3A_157 = arith.constant 0 : index
    %swap3A_158 = vector.load %arg3[%swap3A_156, %swap3A_157] : memref<8x128xf32, #tpu.memory_space<vmem>>, vector<8x128xf32>
    tpu.vector_store %arg3[%swap3A_156, %swap3A_157], %add3A_155 {strides = array<i32>} : memref<8x128xf32, #tpu.memory_space<vmem>>, vector<8x128xf32>,
    return
  }
  func.func @transform_0(%arg0: i32) -> (i32, i32, i32) {
    %c0_i32 = arith.constant 0 : i32
    %c0_i32_0 = arith.constant 0 : i32
    %c0_i32_1 = arith.constant 0 : i32
    return %arg0, %c0_i32, %c0_i32_0 : i32, i32, i32
  }
  func.func @transform_1(%arg0: i32) -> (i32, i32) {
    %c0_i32 = arith.constant 0 : i32
    %c0_i32_0 = arith.constant 0 : i32
    return %arg0, %c0_i32 : i32, i32
  }
  func.func @transform_2(%arg0: i32) -> (i32, i32) {
    %c0_i32 = arith.constant 0 : i32
    %c0_i32_0 = arith.constant 0 : i32
    %c0_i32_1 = arith.constant 0 : i32
    return %c0_i32, %c0_i32_0 : i32, i32
  }
  func.func @transform_3(%arg0: i32) -> (i32, i32, i32) {
    %c0_i32 = arith.constant 0 : i32
    %c0_i32_0 = arith.constant 0 : i32
    %c0_i32_1 = arith.constant 0 : i32
    return %c0_i32, %arg0, %c0_i32_0 : i32, i32, i32
  }
}

module attributes {stable_mosaic.version = 14 : i64} {
  func.func @_conv_body(%arg0: i32, %arg1: memref<192x1xf32, #tpu.memory_space<vmem>>, %arg2: memref<192x1xf32, #tpu.memory_space<vmem>>, %arg3: memref<9x192x96xf32, #tpu.memory_space<vmem>>, %arg4: memref<226x96x226xf32, #tpu.memory_space<any>>, %arg5: memref<192x8x224xf32, #tpu.memory_space<vmem>>, %arg6: memref<2x10x96x226xf32, #tpu.memory_space<vmem>>, %arg7: memref<2x!tpu.dma_semaphore, #tpu.memory_space<semaphore_mem>>) attributes {dimension_semantics = [#tpu.dimension_semantics<arbitrary>], iteration_bounds = array<i64: 28>, scalar_prefetch = 0 : i64, scratch_operands = 2 : i64, tpu.core_type = #tpu.core_type<tc>, window_params = [{pipeline_mode = #tpu.pipeline_mode<synchronous>, transform_indices = @transform_0, window_bounds = array<i64: 192, 1>}, {pipeline_mode = #tpu.pipeline_mode<synchronous>, transform_indices = @transform_1, window_bounds = array<i64: 192, 1>}, {pipeline_mode = #tpu.pipeline_mode<synchronous>, transform_indices = @transform_2, window_bounds = array<i64: 9, 192, 96>}, {}, {transform_indices = @transform_4, window_bounds = array<i64: 192, 8, 224>}]} {
    %rem3A = arith.constant 2 : i32
    %rem3A_0 = arith.remsi %arg0, %rem3A : i32
    %add3A = arith.constant 1 : i32
    %add3A_1 = arith.addi %arg0, %add3A : i32
    %rem3A_2 = arith.constant 2 : i32
    %rem3A_3 = arith.remsi %add3A_1, %rem3A_2 : i32
    %eq3A = arith.constant 0 : i32
    %eq3A_4 = arith.cmpi eq, %arg0, %eq3A : i32
    %convert_element_type3A = arith.extui %eq3A_4 : i1 to i32
    %cond3A = arith.constant 0 : i32
    %cond3A_5 = arith.cmpi ne, %convert_element_type3A, %cond3A : i32
    scf.if %cond3A_5 {
      %dma_start3A = arith.constant 0 : i32
      %dma_start3A_911 = arith.constant 0 : i32
      %dma_start3A_912 = tpu.memref_slice %arg7[%dma_start3A_911] : memref<2x!tpu.dma_semaphore, #tpu.memory_space<semaphore_mem>> -> memref<1x!tpu.dma_semaphore, #tpu.memory_space<semaphore_mem>>
      %dma_start3A_913 = tpu.memref_squeeze %dma_start3A_912 : memref<1x!tpu.dma_semaphore, #tpu.memory_space<semaphore_mem>> -> memref<!tpu.dma_semaphore, #tpu.memory_space<semaphore_mem>>
      %dma_start3A_914 = arith.constant 0 : i32
      %dma_start3A_915 = arith.constant 0 : i32
      %dma_start3A_916 = arith.constant 0 : i32
      %dma_start3A_917 = tpu.memref_slice %arg6[%dma_start3A, %dma_start3A_914, %dma_start3A_915, %dma_start3A_916] : memref<2x10x96x226xf32, #tpu.memory_space<vmem>> -> memref<1x10x96x226xf32, #tpu.memory_space<vmem>>
      %dma_start3A_918 = tpu.memref_squeeze %dma_start3A_917 : memref<1x10x96x226xf32, #tpu.memory_space<vmem>> -> memref<10x96x226xf32, #tpu.memory_space<vmem>>
      %dma_start3A_919 = arith.constant 0 : i32
      %dma_start3A_920 = arith.constant 0 : i32
      %dma_start3A_921 = arith.constant 0 : i32
      %dma_start3A_922 = tpu.memref_slice %arg4[%dma_start3A_919, %dma_start3A_920, %dma_start3A_921] : memref<226x96x226xf32, #tpu.memory_space<any>> -> memref<10x96x226xf32, #tpu.memory_space<any>>
      tpu.enqueue_dma source(%dma_start3A_922 : memref<10x96x226xf32, #tpu.memory_space<any>>) target(%dma_start3A_918 : memref<10x96x226xf32, #tpu.memory_space<vmem>>) target_semaphore(%dma_start3A_913 : memref<!tpu.dma_semaphore, #tpu.memory_space<semaphore_mem>>)
    } else {
    }
    %add3A_6 = arith.constant 1 : i32
    %add3A_7 = arith.addi %arg0, %add3A_6 : i32
    %lt3A = arith.constant 28 : i32
    %lt3A_8 = arith.cmpi slt, %add3A_7, %lt3A : i32
    %convert_element_type3A_9 = arith.extui %lt3A_8 : i1 to i32
    %cond3A_10 = arith.constant 0 : i32
    %cond3A_11 = arith.cmpi ne, %convert_element_type3A_9, %cond3A_10 : i32
    scf.if %cond3A_11 {
      %add3A_911 = arith.constant 1 : i32
      %add3A_912 = arith.addi %arg0, %add3A_911 : i32
      %mul3A_913 = arith.constant 8 : i32
      %mul3A_914 = arith.muli %add3A_912, %mul3A_913 : i32
      %dma_start3A = tpu.memref_slice %arg7[%rem3A_3] : memref<2x!tpu.dma_semaphore, #tpu.memory_space<semaphore_mem>> -> memref<1x!tpu.dma_semaphore, #tpu.memory_space<semaphore_mem>>
      %dma_start3A_915 = tpu.memref_squeeze %dma_start3A : memref<1x!tpu.dma_semaphore, #tpu.memory_space<semaphore_mem>> -> memref<!tpu.dma_semaphore, #tpu.memory_space<semaphore_mem>>
      %dma_start3A_916 = arith.constant 0 : i32
      %dma_start3A_917 = arith.constant 0 : i32
      %dma_start3A_918 = arith.constant 0 : i32
      %dma_start3A_919 = tpu.memref_slice %arg6[%rem3A_3, %dma_start3A_916, %dma_start3A_917, %dma_start3A_918] : memref<2x10x96x226xf32, #tpu.memory_space<vmem>> -> memref<1x10x96x226xf32, #tpu.memory_space<vmem>>
      %dma_start3A_920 = tpu.memref_squeeze %dma_start3A_919 : memref<1x10x96x226xf32, #tpu.memory_space<vmem>> -> memref<10x96x226xf32, #tpu.memory_space<vmem>>
      %dma_start3A_921 = arith.constant 0 : i32
      %dma_start3A_922 = arith.constant 0 : i32
      %dma_start3A_923 = tpu.memref_slice %arg4[%mul3A_914, %dma_start3A_921, %dma_start3A_922] : memref<226x96x226xf32, #tpu.memory_space<any>> -> memref<10x96x226xf32, #tpu.memory_space<any>>
      tpu.enqueue_dma source(%dma_start3A_923 : memref<10x96x226xf32, #tpu.memory_space<any>>) target(%dma_start3A_920 : memref<10x96x226xf32, #tpu.memory_space<vmem>>) target_semaphore(%dma_start3A_915 : memref<!tpu.dma_semaphore, #tpu.memory_space<semaphore_mem>>)
    } else {
    }
    %mul3A = arith.constant 8 : i32
    %mul3A_12 = arith.muli %arg0, %mul3A : i32
    %dma_wait3A = tpu.memref_slice %arg7[%rem3A_0] : memref<2x!tpu.dma_semaphore, #tpu.memory_space<semaphore_mem>> -> memref<1x!tpu.dma_semaphore, #tpu.memory_space<semaphore_mem>>
    %dma_wait3A_13 = tpu.memref_squeeze %dma_wait3A : memref<1x!tpu.dma_semaphore, #tpu.memory_space<semaphore_mem>> -> memref<!tpu.dma_semaphore, #tpu.memory_space<semaphore_mem>>
    %dma_wait3A_14 = arith.constant 0 : i32
    %dma_wait3A_15 = arith.constant 0 : i32
    %dma_wait3A_16 = arith.constant 0 : i32
    %dma_wait3A_17 = tpu.memref_slice %arg6[%rem3A_0, %dma_wait3A_14, %dma_wait3A_15, %dma_wait3A_16] : memref<2x10x96x226xf32, #tpu.memory_space<vmem>> -> memref<1x10x96x226xf32, #tpu.memory_space<vmem>>
    %dma_wait3A_18 = tpu.memref_squeeze %dma_wait3A_17 : memref<1x10x96x226xf32, #tpu.memory_space<vmem>> -> memref<10x96x226xf32, #tpu.memory_space<vmem>>
    %dma_wait3A_19 = arith.constant 0 : i32
    %dma_wait3A_20 = arith.constant 0 : i32
    %dma_wait3A_21 = tpu.memref_slice %arg4[%mul3A_12, %dma_wait3A_19, %dma_wait3A_20] : memref<226x96x226xf32, #tpu.memory_space<any>> -> memref<10x96x226xf32, #tpu.memory_space<any>>
    tpu.wait_dma2 semaphore(%dma_wait3A_13 : memref<!tpu.dma_semaphore, #tpu.memory_space<semaphore_mem>>) src(%dma_wait3A_21 : memref<10x96x226xf32, #tpu.memory_space<any>>) dst(%dma_wait3A_18 : memref<10x96x226xf32, #tpu.memory_space<vmem>>)
    %get3A = arith.constant 0 : index
    %get3A_22 = arith.constant 0 : index
    %get3A_23 = vector.load %arg1[%get3A, %get3A_22] : memref<192x1xf32, #tpu.memory_space<vmem>>, vector<192x1xf32>
    %get3A_24 = arith.constant 0 : index
    %get3A_25 = arith.constant 0 : index
    %get3A_26 = vector.load %arg2[%get3A_24, %get3A_25] : memref<192x1xf32, #tpu.memory_space<vmem>>, vector<192x1xf32>
    %broadcast_in_dim3A = arith.constant 0.000000e+00 : f32
    %broadcast_in_dim3A_27 = vector.broadcast %broadcast_in_dim3A : f32 to vector<192x224xf32>
    %get3A_28 = arith.index_cast %rem3A_0 : i32 to index
    %get3A_29 = arith.constant 0 : index
    %get3A_30 = arith.constant 0 : index
    %get3A_31 = arith.constant 0 : index
    %get3A_32 = vector.load %arg6[%get3A_28, %get3A_29, %get3A_30, %get3A_31] : memref<2x10x96x226xf32, #tpu.memory_space<vmem>>, vector<1x1x96x226xf32>
    %get3A_33 = vector.shape_cast %get3A_32 : vector<1x1x96x226xf32> to vector<96x226xf32>
    %get3A_34 = arith.constant 0 : index
    %get3A_35 = arith.constant 0 : index
    %get3A_36 = arith.constant 0 : index
    %get3A_37 = vector.load %arg3[%get3A_34, %get3A_35, %get3A_36] : memref<9x192x96xf32, #tpu.memory_space<vmem>>, vector<1x192x96xf32>
    %get3A_38 = vector.shape_cast %get3A_37 : vector<1x192x96xf32> to vector<192x96xf32>
    %dot_general3A = arith.constant dense<0.000000e+00> : vector<192x226xf32>
    %dot_general3A_39 = tpu.matmul %get3A_38, %get3A_33, %dot_general3A {dimension_numbers = #tpu.dot_dimension_numbers<[1], [0], [0], [1], [0, 0, 1, 1], [], []>, transpose_lhs_hint = false} : vector<192x96xf32>, vector<96x226xf32>, vector<192x226xf32> -> vector<192x226xf32>
    %slice3A = vector.extract_strided_slice %dot_general3A_39 {offsets = [0, 0], sizes = [192, 224], strides = [1, 1]} : vector<192x226xf32> to vector<192x224xf32>
    %add3A_40 = arith.addf %broadcast_in_dim3A_27, %slice3A : vector<192x224xf32>
    %get3A_41 = arith.constant 1 : index
    %get3A_42 = arith.constant 0 : index
    %get3A_43 = arith.constant 0 : index
    %get3A_44 = vector.load %arg3[%get3A_41, %get3A_42, %get3A_43] : memref<9x192x96xf32, #tpu.memory_space<vmem>>, vector<1x192x96xf32>
    %get3A_45 = vector.shape_cast %get3A_44 : vector<1x192x96xf32> to vector<192x96xf32>
    %dot_general3A_46 = arith.constant dense<0.000000e+00> : vector<192x226xf32>
    %dot_general3A_47 = tpu.matmul %get3A_45, %get3A_33, %dot_general3A_46 {dimension_numbers = #tpu.dot_dimension_numbers<[1], [0], [0], [1], [0, 0, 1, 1], [], []>, transpose_lhs_hint = false} : vector<192x96xf32>, vector<96x226xf32>, vector<192x226xf32> -> vector<192x226xf32>
    %slice3A_48 = vector.extract_strided_slice %dot_general3A_47 {offsets = [0, 1], sizes = [192, 224], strides = [1, 1]} : vector<192x226xf32> to vector<192x224xf32>
    %add3A_49 = arith.addf %add3A_40, %slice3A_48 : vector<192x224xf32>
    %get3A_50 = arith.constant 2 : index
    %get3A_51 = arith.constant 0 : index
    %get3A_52 = arith.constant 0 : index
    %get3A_53 = vector.load %arg3[%get3A_50, %get3A_51, %get3A_52] : memref<9x192x96xf32, #tpu.memory_space<vmem>>, vector<1x192x96xf32>
    %get3A_54 = vector.shape_cast %get3A_53 : vector<1x192x96xf32> to vector<192x96xf32>
    %dot_general3A_55 = arith.constant dense<0.000000e+00> : vector<192x226xf32>
    %dot_general3A_56 = tpu.matmul %get3A_54, %get3A_33, %dot_general3A_55 {dimension_numbers = #tpu.dot_dimension_numbers<[1], [0], [0], [1], [0, 0, 1, 1], [], []>, transpose_lhs_hint = false} : vector<192x96xf32>, vector<96x226xf32>, vector<192x226xf32> -> vector<192x226xf32>
    %slice3A_57 = vector.extract_strided_slice %dot_general3A_56 {offsets = [0, 2], sizes = [192, 224], strides = [1, 1]} : vector<192x226xf32> to vector<192x224xf32>
    %add3A_58 = arith.addf %add3A_49, %slice3A_57 : vector<192x224xf32>
    %get3A_59 = arith.index_cast %rem3A_0 : i32 to index
    %get3A_60 = arith.constant 1 : index
    %get3A_61 = arith.constant 0 : index
    %get3A_62 = arith.constant 0 : index
    %get3A_63 = vector.load %arg6[%get3A_59, %get3A_60, %get3A_61, %get3A_62] : memref<2x10x96x226xf32, #tpu.memory_space<vmem>>, vector<1x1x96x226xf32>
    %get3A_64 = vector.shape_cast %get3A_63 : vector<1x1x96x226xf32> to vector<96x226xf32>
    %get3A_65 = arith.constant 3 : index
    %get3A_66 = arith.constant 0 : index
    %get3A_67 = arith.constant 0 : index
    %get3A_68 = vector.load %arg3[%get3A_65, %get3A_66, %get3A_67] : memref<9x192x96xf32, #tpu.memory_space<vmem>>, vector<1x192x96xf32>
    %get3A_69 = vector.shape_cast %get3A_68 : vector<1x192x96xf32> to vector<192x96xf32>
    %dot_general3A_70 = arith.constant dense<0.000000e+00> : vector<192x226xf32>
    %dot_general3A_71 = tpu.matmul %get3A_69, %get3A_64, %dot_general3A_70 {dimension_numbers = #tpu.dot_dimension_numbers<[1], [0], [0], [1], [0, 0, 1, 1], [], []>, transpose_lhs_hint = false} : vector<192x96xf32>, vector<96x226xf32>, vector<192x226xf32> -> vector<192x226xf32>
    %slice3A_72 = vector.extract_strided_slice %dot_general3A_71 {offsets = [0, 0], sizes = [192, 224], strides = [1, 1]} : vector<192x226xf32> to vector<192x224xf32>
    %add3A_73 = arith.addf %add3A_58, %slice3A_72 : vector<192x224xf32>
    %get3A_74 = arith.constant 4 : index
    %get3A_75 = arith.constant 0 : index
    %get3A_76 = arith.constant 0 : index
    %get3A_77 = vector.load %arg3[%get3A_74, %get3A_75, %get3A_76] : memref<9x192x96xf32, #tpu.memory_space<vmem>>, vector<1x192x96xf32>
    %get3A_78 = vector.shape_cast %get3A_77 : vector<1x192x96xf32> to vector<192x96xf32>
    %dot_general3A_79 = arith.constant dense<0.000000e+00> : vector<192x226xf32>
    %dot_general3A_80 = tpu.matmul %get3A_78, %get3A_64, %dot_general3A_79 {dimension_numbers = #tpu.dot_dimension_numbers<[1], [0], [0], [1], [0, 0, 1, 1], [], []>, transpose_lhs_hint = false} : vector<192x96xf32>, vector<96x226xf32>, vector<192x226xf32> -> vector<192x226xf32>
    %slice3A_81 = vector.extract_strided_slice %dot_general3A_80 {offsets = [0, 1], sizes = [192, 224], strides = [1, 1]} : vector<192x226xf32> to vector<192x224xf32>
    %add3A_82 = arith.addf %add3A_73, %slice3A_81 : vector<192x224xf32>
    %get3A_83 = arith.constant 5 : index
    %get3A_84 = arith.constant 0 : index
    %get3A_85 = arith.constant 0 : index
    %get3A_86 = vector.load %arg3[%get3A_83, %get3A_84, %get3A_85] : memref<9x192x96xf32, #tpu.memory_space<vmem>>, vector<1x192x96xf32>
    %get3A_87 = vector.shape_cast %get3A_86 : vector<1x192x96xf32> to vector<192x96xf32>
    %dot_general3A_88 = arith.constant dense<0.000000e+00> : vector<192x226xf32>
    %dot_general3A_89 = tpu.matmul %get3A_87, %get3A_64, %dot_general3A_88 {dimension_numbers = #tpu.dot_dimension_numbers<[1], [0], [0], [1], [0, 0, 1, 1], [], []>, transpose_lhs_hint = false} : vector<192x96xf32>, vector<96x226xf32>, vector<192x226xf32> -> vector<192x226xf32>
    %slice3A_90 = vector.extract_strided_slice %dot_general3A_89 {offsets = [0, 2], sizes = [192, 224], strides = [1, 1]} : vector<192x226xf32> to vector<192x224xf32>
    %add3A_91 = arith.addf %add3A_82, %slice3A_90 : vector<192x224xf32>
    %get3A_92 = arith.index_cast %rem3A_0 : i32 to index
    %get3A_93 = arith.constant 2 : index
    %get3A_94 = arith.constant 0 : index
    %get3A_95 = arith.constant 0 : index
    %get3A_96 = vector.load %arg6[%get3A_92, %get3A_93, %get3A_94, %get3A_95] : memref<2x10x96x226xf32, #tpu.memory_space<vmem>>, vector<1x1x96x226xf32>
    %get3A_97 = vector.shape_cast %get3A_96 : vector<1x1x96x226xf32> to vector<96x226xf32>
    %get3A_98 = arith.constant 6 : index
    %get3A_99 = arith.constant 0 : index
    %get3A_100 = arith.constant 0 : index
    %get3A_101 = vector.load %arg3[%get3A_98, %get3A_99, %get3A_100] : memref<9x192x96xf32, #tpu.memory_space<vmem>>, vector<1x192x96xf32>
    %get3A_102 = vector.shape_cast %get3A_101 : vector<1x192x96xf32> to vector<192x96xf32>
    %dot_general3A_103 = arith.constant dense<0.000000e+00> : vector<192x226xf32>
    %dot_general3A_104 = tpu.matmul %get3A_102, %get3A_97, %dot_general3A_103 {dimension_numbers = #tpu.dot_dimension_numbers<[1], [0], [0], [1], [0, 0, 1, 1], [], []>, transpose_lhs_hint = false} : vector<192x96xf32>, vector<96x226xf32>, vector<192x226xf32> -> vector<192x226xf32>
    %slice3A_105 = vector.extract_strided_slice %dot_general3A_104 {offsets = [0, 0], sizes = [192, 224], strides = [1, 1]} : vector<192x226xf32> to vector<192x224xf32>
    %add3A_106 = arith.addf %add3A_91, %slice3A_105 : vector<192x224xf32>
    %get3A_107 = arith.constant 7 : index
    %get3A_108 = arith.constant 0 : index
    %get3A_109 = arith.constant 0 : index
    %get3A_110 = vector.load %arg3[%get3A_107, %get3A_108, %get3A_109] : memref<9x192x96xf32, #tpu.memory_space<vmem>>, vector<1x192x96xf32>
    %get3A_111 = vector.shape_cast %get3A_110 : vector<1x192x96xf32> to vector<192x96xf32>
    %dot_general3A_112 = arith.constant dense<0.000000e+00> : vector<192x226xf32>
    %dot_general3A_113 = tpu.matmul %get3A_111, %get3A_97, %dot_general3A_112 {dimension_numbers = #tpu.dot_dimension_numbers<[1], [0], [0], [1], [0, 0, 1, 1], [], []>, transpose_lhs_hint = false} : vector<192x96xf32>, vector<96x226xf32>, vector<192x226xf32> -> vector<192x226xf32>
    %slice3A_114 = vector.extract_strided_slice %dot_general3A_113 {offsets = [0, 1], sizes = [192, 224], strides = [1, 1]} : vector<192x226xf32> to vector<192x224xf32>
    %add3A_115 = arith.addf %add3A_106, %slice3A_114 : vector<192x224xf32>
    %get3A_116 = arith.constant 8 : index
    %get3A_117 = arith.constant 0 : index
    %get3A_118 = arith.constant 0 : index
    %get3A_119 = vector.load %arg3[%get3A_116, %get3A_117, %get3A_118] : memref<9x192x96xf32, #tpu.memory_space<vmem>>, vector<1x192x96xf32>
    %get3A_120 = vector.shape_cast %get3A_119 : vector<1x192x96xf32> to vector<192x96xf32>
    %dot_general3A_121 = arith.constant dense<0.000000e+00> : vector<192x226xf32>
    %dot_general3A_122 = tpu.matmul %get3A_120, %get3A_97, %dot_general3A_121 {dimension_numbers = #tpu.dot_dimension_numbers<[1], [0], [0], [1], [0, 0, 1, 1], [], []>, transpose_lhs_hint = false} : vector<192x96xf32>, vector<96x226xf32>, vector<192x226xf32> -> vector<192x226xf32>
    %slice3A_123 = vector.extract_strided_slice %dot_general3A_122 {offsets = [0, 2], sizes = [192, 224], strides = [1, 1]} : vector<192x226xf32> to vector<192x224xf32>
    %add3A_124 = arith.addf %add3A_115, %slice3A_123 : vector<192x224xf32>
    %mul3A_125 = vector.broadcast %get3A_23 : vector<192x1xf32> to vector<192x224xf32>
    %mul3A_126 = arith.mulf %add3A_124, %mul3A_125 : vector<192x224xf32>
    %add3A_127 = vector.broadcast %get3A_26 : vector<192x1xf32> to vector<192x224xf32>
    %add3A_128 = arith.addf %mul3A_126, %add3A_127 : vector<192x224xf32>
    %swap3A = arith.constant 0 : index
    %swap3A_129 = arith.constant 0 : index
    %swap3A_130 = arith.constant 0 : index
    %swap3A_131 = vector.load %arg5[%swap3A, %swap3A_129, %swap3A_130] : memref<192x8x224xf32, #tpu.memory_space<vmem>>, vector<192x1x224xf32>
    %swap3A_132 = vector.shape_cast %swap3A_131 : vector<192x1x224xf32> to vector<192x224xf32>
    %swap3A_133 = vector.shape_cast %add3A_128 : vector<192x224xf32> to vector<192x1x224xf32>
    tpu.vector_store %arg5[%swap3A, %swap3A_129, %swap3A_130], %swap3A_133 {strides = array<i32>} : memref<192x8x224xf32, #tpu.memory_space<vmem>>, vector<192x1x224xf32>,
    %broadcast_in_dim3A_134 = arith.constant 0.000000e+00 : f32
    %broadcast_in_dim3A_135 = vector.broadcast %broadcast_in_dim3A_134 : f32 to vector<192x224xf32>
    %get3A_136 = arith.index_cast %rem3A_0 : i32 to index
    %get3A_137 = arith.constant 1 : index
    %get3A_138 = arith.constant 0 : index
    %get3A_139 = arith.constant 0 : index
    %get3A_140 = vector.load %arg6[%get3A_136, %get3A_137, %get3A_138, %get3A_139] : memref<2x10x96x226xf32, #tpu.memory_space<vmem>>, vector<1x1x96x226xf32>
    %get3A_141 = vector.shape_cast %get3A_140 : vector<1x1x96x226xf32> to vector<96x226xf32>
    %get3A_142 = arith.constant 0 : index
    %get3A_143 = arith.constant 0 : index
    %get3A_144 = arith.constant 0 : index
    %get3A_145 = vector.load %arg3[%get3A_142, %get3A_143, %get3A_144] : memref<9x192x96xf32, #tpu.memory_space<vmem>>, vector<1x192x96xf32>
    %get3A_146 = vector.shape_cast %get3A_145 : vector<1x192x96xf32> to vector<192x96xf32>
    %dot_general3A_147 = arith.constant dense<0.000000e+00> : vector<192x226xf32>
    %dot_general3A_148 = tpu.matmul %get3A_146, %get3A_141, %dot_general3A_147 {dimension_numbers = #tpu.dot_dimension_numbers<[1], [0], [0], [1], [0, 0, 1, 1], [], []>, transpose_lhs_hint = false} : vector<192x96xf32>, vector<96x226xf32>, vector<192x226xf32> -> vector<192x226xf32>
    %slice3A_149 = vector.extract_strided_slice %dot_general3A_148 {offsets = [0, 0], sizes = [192, 224], strides = [1, 1]} : vector<192x226xf32> to vector<192x224xf32>
    %add3A_150 = arith.addf %broadcast_in_dim3A_135, %slice3A_149 : vector<192x224xf32>
    %get3A_151 = arith.constant 1 : index
    %get3A_152 = arith.constant 0 : index
    %get3A_153 = arith.constant 0 : index
    %get3A_154 = vector.load %arg3[%get3A_151, %get3A_152, %get3A_153] : memref<9x192x96xf32, #tpu.memory_space<vmem>>, vector<1x192x96xf32>
    %get3A_155 = vector.shape_cast %get3A_154 : vector<1x192x96xf32> to vector<192x96xf32>
    %dot_general3A_156 = arith.constant dense<0.000000e+00> : vector<192x226xf32>
    %dot_general3A_157 = tpu.matmul %get3A_155, %get3A_141, %dot_general3A_156 {dimension_numbers = #tpu.dot_dimension_numbers<[1], [0], [0], [1], [0, 0, 1, 1], [], []>, transpose_lhs_hint = false} : vector<192x96xf32>, vector<96x226xf32>, vector<192x226xf32> -> vector<192x226xf32>
    %slice3A_158 = vector.extract_strided_slice %dot_general3A_157 {offsets = [0, 1], sizes = [192, 224], strides = [1, 1]} : vector<192x226xf32> to vector<192x224xf32>
    %add3A_159 = arith.addf %add3A_150, %slice3A_158 : vector<192x224xf32>
    %get3A_160 = arith.constant 2 : index
    %get3A_161 = arith.constant 0 : index
    %get3A_162 = arith.constant 0 : index
    %get3A_163 = vector.load %arg3[%get3A_160, %get3A_161, %get3A_162] : memref<9x192x96xf32, #tpu.memory_space<vmem>>, vector<1x192x96xf32>
    %get3A_164 = vector.shape_cast %get3A_163 : vector<1x192x96xf32> to vector<192x96xf32>
    %dot_general3A_165 = arith.constant dense<0.000000e+00> : vector<192x226xf32>
    %dot_general3A_166 = tpu.matmul %get3A_164, %get3A_141, %dot_general3A_165 {dimension_numbers = #tpu.dot_dimension_numbers<[1], [0], [0], [1], [0, 0, 1, 1], [], []>, transpose_lhs_hint = false} : vector<192x96xf32>, vector<96x226xf32>, vector<192x226xf32> -> vector<192x226xf32>
    %slice3A_167 = vector.extract_strided_slice %dot_general3A_166 {offsets = [0, 2], sizes = [192, 224], strides = [1, 1]} : vector<192x226xf32> to vector<192x224xf32>
    %add3A_168 = arith.addf %add3A_159, %slice3A_167 : vector<192x224xf32>
    %get3A_169 = arith.index_cast %rem3A_0 : i32 to index
    %get3A_170 = arith.constant 2 : index
    %get3A_171 = arith.constant 0 : index
    %get3A_172 = arith.constant 0 : index
    %get3A_173 = vector.load %arg6[%get3A_169, %get3A_170, %get3A_171, %get3A_172] : memref<2x10x96x226xf32, #tpu.memory_space<vmem>>, vector<1x1x96x226xf32>
    %get3A_174 = vector.shape_cast %get3A_173 : vector<1x1x96x226xf32> to vector<96x226xf32>
    %get3A_175 = arith.constant 3 : index
    %get3A_176 = arith.constant 0 : index
    %get3A_177 = arith.constant 0 : index
    %get3A_178 = vector.load %arg3[%get3A_175, %get3A_176, %get3A_177] : memref<9x192x96xf32, #tpu.memory_space<vmem>>, vector<1x192x96xf32>
    %get3A_179 = vector.shape_cast %get3A_178 : vector<1x192x96xf32> to vector<192x96xf32>
    %dot_general3A_180 = arith.constant dense<0.000000e+00> : vector<192x226xf32>
    %dot_general3A_181 = tpu.matmul %get3A_179, %get3A_174, %dot_general3A_180 {dimension_numbers = #tpu.dot_dimension_numbers<[1], [0], [0], [1], [0, 0, 1, 1], [], []>, transpose_lhs_hint = false} : vector<192x96xf32>, vector<96x226xf32>, vector<192x226xf32> -> vector<192x226xf32>
    %slice3A_182 = vector.extract_strided_slice %dot_general3A_181 {offsets = [0, 0], sizes = [192, 224], strides = [1, 1]} : vector<192x226xf32> to vector<192x224xf32>
    %add3A_183 = arith.addf %add3A_168, %slice3A_182 : vector<192x224xf32>
    %get3A_184 = arith.constant 4 : index
    %get3A_185 = arith.constant 0 : index
    %get3A_186 = arith.constant 0 : index
    %get3A_187 = vector.load %arg3[%get3A_184, %get3A_185, %get3A_186] : memref<9x192x96xf32, #tpu.memory_space<vmem>>, vector<1x192x96xf32>
    %get3A_188 = vector.shape_cast %get3A_187 : vector<1x192x96xf32> to vector<192x96xf32>
    %dot_general3A_189 = arith.constant dense<0.000000e+00> : vector<192x226xf32>
    %dot_general3A_190 = tpu.matmul %get3A_188, %get3A_174, %dot_general3A_189 {dimension_numbers = #tpu.dot_dimension_numbers<[1], [0], [0], [1], [0, 0, 1, 1], [], []>, transpose_lhs_hint = false} : vector<192x96xf32>, vector<96x226xf32>, vector<192x226xf32> -> vector<192x226xf32>
    %slice3A_191 = vector.extract_strided_slice %dot_general3A_190 {offsets = [0, 1], sizes = [192, 224], strides = [1, 1]} : vector<192x226xf32> to vector<192x224xf32>
    %add3A_192 = arith.addf %add3A_183, %slice3A_191 : vector<192x224xf32>
    %get3A_193 = arith.constant 5 : index
    %get3A_194 = arith.constant 0 : index
    %get3A_195 = arith.constant 0 : index
    %get3A_196 = vector.load %arg3[%get3A_193, %get3A_194, %get3A_195] : memref<9x192x96xf32, #tpu.memory_space<vmem>>, vector<1x192x96xf32>
    %get3A_197 = vector.shape_cast %get3A_196 : vector<1x192x96xf32> to vector<192x96xf32>
    %dot_general3A_198 = arith.constant dense<0.000000e+00> : vector<192x226xf32>
    %dot_general3A_199 = tpu.matmul %get3A_197, %get3A_174, %dot_general3A_198 {dimension_numbers = #tpu.dot_dimension_numbers<[1], [0], [0], [1], [0, 0, 1, 1], [], []>, transpose_lhs_hint = false} : vector<192x96xf32>, vector<96x226xf32>, vector<192x226xf32> -> vector<192x226xf32>
    %slice3A_200 = vector.extract_strided_slice %dot_general3A_199 {offsets = [0, 2], sizes = [192, 224], strides = [1, 1]} : vector<192x226xf32> to vector<192x224xf32>
    %add3A_201 = arith.addf %add3A_192, %slice3A_200 : vector<192x224xf32>
    %get3A_202 = arith.index_cast %rem3A_0 : i32 to index
    %get3A_203 = arith.constant 3 : index
    %get3A_204 = arith.constant 0 : index
    %get3A_205 = arith.constant 0 : index
    %get3A_206 = vector.load %arg6[%get3A_202, %get3A_203, %get3A_204, %get3A_205] : memref<2x10x96x226xf32, #tpu.memory_space<vmem>>, vector<1x1x96x226xf32>
    %get3A_207 = vector.shape_cast %get3A_206 : vector<1x1x96x226xf32> to vector<96x226xf32>
    %get3A_208 = arith.constant 6 : index
    %get3A_209 = arith.constant 0 : index
    %get3A_210 = arith.constant 0 : index
    %get3A_211 = vector.load %arg3[%get3A_208, %get3A_209, %get3A_210] : memref<9x192x96xf32, #tpu.memory_space<vmem>>, vector<1x192x96xf32>
    %get3A_212 = vector.shape_cast %get3A_211 : vector<1x192x96xf32> to vector<192x96xf32>
    %dot_general3A_213 = arith.constant dense<0.000000e+00> : vector<192x226xf32>
    %dot_general3A_214 = tpu.matmul %get3A_212, %get3A_207, %dot_general3A_213 {dimension_numbers = #tpu.dot_dimension_numbers<[1], [0], [0], [1], [0, 0, 1, 1], [], []>, transpose_lhs_hint = false} : vector<192x96xf32>, vector<96x226xf32>, vector<192x226xf32> -> vector<192x226xf32>
    %slice3A_215 = vector.extract_strided_slice %dot_general3A_214 {offsets = [0, 0], sizes = [192, 224], strides = [1, 1]} : vector<192x226xf32> to vector<192x224xf32>
    %add3A_216 = arith.addf %add3A_201, %slice3A_215 : vector<192x224xf32>
    %get3A_217 = arith.constant 7 : index
    %get3A_218 = arith.constant 0 : index
    %get3A_219 = arith.constant 0 : index
    %get3A_220 = vector.load %arg3[%get3A_217, %get3A_218, %get3A_219] : memref<9x192x96xf32, #tpu.memory_space<vmem>>, vector<1x192x96xf32>
    %get3A_221 = vector.shape_cast %get3A_220 : vector<1x192x96xf32> to vector<192x96xf32>
    %dot_general3A_222 = arith.constant dense<0.000000e+00> : vector<192x226xf32>
    %dot_general3A_223 = tpu.matmul %get3A_221, %get3A_207, %dot_general3A_222 {dimension_numbers = #tpu.dot_dimension_numbers<[1], [0], [0], [1], [0, 0, 1, 1], [], []>, transpose_lhs_hint = false} : vector<192x96xf32>, vector<96x226xf32>, vector<192x226xf32> -> vector<192x226xf32>
    %slice3A_224 = vector.extract_strided_slice %dot_general3A_223 {offsets = [0, 1], sizes = [192, 224], strides = [1, 1]} : vector<192x226xf32> to vector<192x224xf32>
    %add3A_225 = arith.addf %add3A_216, %slice3A_224 : vector<192x224xf32>
    %get3A_226 = arith.constant 8 : index
    %get3A_227 = arith.constant 0 : index
    %get3A_228 = arith.constant 0 : index
    %get3A_229 = vector.load %arg3[%get3A_226, %get3A_227, %get3A_228] : memref<9x192x96xf32, #tpu.memory_space<vmem>>, vector<1x192x96xf32>
    %get3A_230 = vector.shape_cast %get3A_229 : vector<1x192x96xf32> to vector<192x96xf32>
    %dot_general3A_231 = arith.constant dense<0.000000e+00> : vector<192x226xf32>
    %dot_general3A_232 = tpu.matmul %get3A_230, %get3A_207, %dot_general3A_231 {dimension_numbers = #tpu.dot_dimension_numbers<[1], [0], [0], [1], [0, 0, 1, 1], [], []>, transpose_lhs_hint = false} : vector<192x96xf32>, vector<96x226xf32>, vector<192x226xf32> -> vector<192x226xf32>
    %slice3A_233 = vector.extract_strided_slice %dot_general3A_232 {offsets = [0, 2], sizes = [192, 224], strides = [1, 1]} : vector<192x226xf32> to vector<192x224xf32>
    %add3A_234 = arith.addf %add3A_225, %slice3A_233 : vector<192x224xf32>
    %mul3A_235 = vector.broadcast %get3A_23 : vector<192x1xf32> to vector<192x224xf32>
    %mul3A_236 = arith.mulf %add3A_234, %mul3A_235 : vector<192x224xf32>
    %add3A_237 = vector.broadcast %get3A_26 : vector<192x1xf32> to vector<192x224xf32>
    %add3A_238 = arith.addf %mul3A_236, %add3A_237 : vector<192x224xf32>
    %swap3A_239 = arith.constant 0 : index
    %swap3A_240 = arith.constant 1 : index
    %swap3A_241 = arith.constant 0 : index
    %swap3A_242 = vector.load %arg5[%swap3A_239, %swap3A_240, %swap3A_241] : memref<192x8x224xf32, #tpu.memory_space<vmem>>, vector<192x1x224xf32>
    %swap3A_243 = vector.shape_cast %swap3A_242 : vector<192x1x224xf32> to vector<192x224xf32>
    %swap3A_244 = vector.shape_cast %add3A_238 : vector<192x224xf32> to vector<192x1x224xf32>
    tpu.vector_store %arg5[%swap3A_239, %swap3A_240, %swap3A_241], %swap3A_244 {strides = array<i32>} : memref<192x8x224xf32, #tpu.memory_space<vmem>>, vector<192x1x224xf32>,
    %broadcast_in_dim3A_245 = arith.constant 0.000000e+00 : f32
    %broadcast_in_dim3A_246 = vector.broadcast %broadcast_in_dim3A_245 : f32 to vector<192x224xf32>
    %get3A_247 = arith.index_cast %rem3A_0 : i32 to index
    %get3A_248 = arith.constant 2 : index
    %get3A_249 = arith.constant 0 : index
    %get3A_250 = arith.constant 0 : index
    %get3A_251 = vector.load %arg6[%get3A_247, %get3A_248, %get3A_249, %get3A_250] : memref<2x10x96x226xf32, #tpu.memory_space<vmem>>, vector<1x1x96x226xf32>
    %get3A_252 = vector.shape_cast %get3A_251 : vector<1x1x96x226xf32> to vector<96x226xf32>
    %get3A_253 = arith.constant 0 : index
    %get3A_254 = arith.constant 0 : index
    %get3A_255 = arith.constant 0 : index
    %get3A_256 = vector.load %arg3[%get3A_253, %get3A_254, %get3A_255] : memref<9x192x96xf32, #tpu.memory_space<vmem>>, vector<1x192x96xf32>
    %get3A_257 = vector.shape_cast %get3A_256 : vector<1x192x96xf32> to vector<192x96xf32>
    %dot_general3A_258 = arith.constant dense<0.000000e+00> : vector<192x226xf32>
    %dot_general3A_259 = tpu.matmul %get3A_257, %get3A_252, %dot_general3A_258 {dimension_numbers = #tpu.dot_dimension_numbers<[1], [0], [0], [1], [0, 0, 1, 1], [], []>, transpose_lhs_hint = false} : vector<192x96xf32>, vector<96x226xf32>, vector<192x226xf32> -> vector<192x226xf32>
    %slice3A_260 = vector.extract_strided_slice %dot_general3A_259 {offsets = [0, 0], sizes = [192, 224], strides = [1, 1]} : vector<192x226xf32> to vector<192x224xf32>
    %add3A_261 = arith.addf %broadcast_in_dim3A_246, %slice3A_260 : vector<192x224xf32>
    %get3A_262 = arith.constant 1 : index
    %get3A_263 = arith.constant 0 : index
    %get3A_264 = arith.constant 0 : index
    %get3A_265 = vector.load %arg3[%get3A_262, %get3A_263, %get3A_264] : memref<9x192x96xf32, #tpu.memory_space<vmem>>, vector<1x192x96xf32>
    %get3A_266 = vector.shape_cast %get3A_265 : vector<1x192x96xf32> to vector<192x96xf32>
    %dot_general3A_267 = arith.constant dense<0.000000e+00> : vector<192x226xf32>
    %dot_general3A_268 = tpu.matmul %get3A_266, %get3A_252, %dot_general3A_267 {dimension_numbers = #tpu.dot_dimension_numbers<[1], [0], [0], [1], [0, 0, 1, 1], [], []>, transpose_lhs_hint = false} : vector<192x96xf32>, vector<96x226xf32>, vector<192x226xf32> -> vector<192x226xf32>
    %slice3A_269 = vector.extract_strided_slice %dot_general3A_268 {offsets = [0, 1], sizes = [192, 224], strides = [1, 1]} : vector<192x226xf32> to vector<192x224xf32>
    %add3A_270 = arith.addf %add3A_261, %slice3A_269 : vector<192x224xf32>
    %get3A_271 = arith.constant 2 : index
    %get3A_272 = arith.constant 0 : index
    %get3A_273 = arith.constant 0 : index
    %get3A_274 = vector.load %arg3[%get3A_271, %get3A_272, %get3A_273] : memref<9x192x96xf32, #tpu.memory_space<vmem>>, vector<1x192x96xf32>
    %get3A_275 = vector.shape_cast %get3A_274 : vector<1x192x96xf32> to vector<192x96xf32>
    %dot_general3A_276 = arith.constant dense<0.000000e+00> : vector<192x226xf32>
    %dot_general3A_277 = tpu.matmul %get3A_275, %get3A_252, %dot_general3A_276 {dimension_numbers = #tpu.dot_dimension_numbers<[1], [0], [0], [1], [0, 0, 1, 1], [], []>, transpose_lhs_hint = false} : vector<192x96xf32>, vector<96x226xf32>, vector<192x226xf32> -> vector<192x226xf32>
    %slice3A_278 = vector.extract_strided_slice %dot_general3A_277 {offsets = [0, 2], sizes = [192, 224], strides = [1, 1]} : vector<192x226xf32> to vector<192x224xf32>
    %add3A_279 = arith.addf %add3A_270, %slice3A_278 : vector<192x224xf32>
    %get3A_280 = arith.index_cast %rem3A_0 : i32 to index
    %get3A_281 = arith.constant 3 : index
    %get3A_282 = arith.constant 0 : index
    %get3A_283 = arith.constant 0 : index
    %get3A_284 = vector.load %arg6[%get3A_280, %get3A_281, %get3A_282, %get3A_283] : memref<2x10x96x226xf32, #tpu.memory_space<vmem>>, vector<1x1x96x226xf32>
    %get3A_285 = vector.shape_cast %get3A_284 : vector<1x1x96x226xf32> to vector<96x226xf32>
    %get3A_286 = arith.constant 3 : index
    %get3A_287 = arith.constant 0 : index
    %get3A_288 = arith.constant 0 : index
    %get3A_289 = vector.load %arg3[%get3A_286, %get3A_287, %get3A_288] : memref<9x192x96xf32, #tpu.memory_space<vmem>>, vector<1x192x96xf32>
    %get3A_290 = vector.shape_cast %get3A_289 : vector<1x192x96xf32> to vector<192x96xf32>
    %dot_general3A_291 = arith.constant dense<0.000000e+00> : vector<192x226xf32>
    %dot_general3A_292 = tpu.matmul %get3A_290, %get3A_285, %dot_general3A_291 {dimension_numbers = #tpu.dot_dimension_numbers<[1], [0], [0], [1], [0, 0, 1, 1], [], []>, transpose_lhs_hint = false} : vector<192x96xf32>, vector<96x226xf32>, vector<192x226xf32> -> vector<192x226xf32>
    %slice3A_293 = vector.extract_strided_slice %dot_general3A_292 {offsets = [0, 0], sizes = [192, 224], strides = [1, 1]} : vector<192x226xf32> to vector<192x224xf32>
    %add3A_294 = arith.addf %add3A_279, %slice3A_293 : vector<192x224xf32>
    %get3A_295 = arith.constant 4 : index
    %get3A_296 = arith.constant 0 : index
    %get3A_297 = arith.constant 0 : index
    %get3A_298 = vector.load %arg3[%get3A_295, %get3A_296, %get3A_297] : memref<9x192x96xf32, #tpu.memory_space<vmem>>, vector<1x192x96xf32>
    %get3A_299 = vector.shape_cast %get3A_298 : vector<1x192x96xf32> to vector<192x96xf32>
    %dot_general3A_300 = arith.constant dense<0.000000e+00> : vector<192x226xf32>
    %dot_general3A_301 = tpu.matmul %get3A_299, %get3A_285, %dot_general3A_300 {dimension_numbers = #tpu.dot_dimension_numbers<[1], [0], [0], [1], [0, 0, 1, 1], [], []>, transpose_lhs_hint = false} : vector<192x96xf32>, vector<96x226xf32>, vector<192x226xf32> -> vector<192x226xf32>
    %slice3A_302 = vector.extract_strided_slice %dot_general3A_301 {offsets = [0, 1], sizes = [192, 224], strides = [1, 1]} : vector<192x226xf32> to vector<192x224xf32>
    %add3A_303 = arith.addf %add3A_294, %slice3A_302 : vector<192x224xf32>
    %get3A_304 = arith.constant 5 : index
    %get3A_305 = arith.constant 0 : index
    %get3A_306 = arith.constant 0 : index
    %get3A_307 = vector.load %arg3[%get3A_304, %get3A_305, %get3A_306] : memref<9x192x96xf32, #tpu.memory_space<vmem>>, vector<1x192x96xf32>
    %get3A_308 = vector.shape_cast %get3A_307 : vector<1x192x96xf32> to vector<192x96xf32>
    %dot_general3A_309 = arith.constant dense<0.000000e+00> : vector<192x226xf32>
    %dot_general3A_310 = tpu.matmul %get3A_308, %get3A_285, %dot_general3A_309 {dimension_numbers = #tpu.dot_dimension_numbers<[1], [0], [0], [1], [0, 0, 1, 1], [], []>, transpose_lhs_hint = false} : vector<192x96xf32>, vector<96x226xf32>, vector<192x226xf32> -> vector<192x226xf32>
    %slice3A_311 = vector.extract_strided_slice %dot_general3A_310 {offsets = [0, 2], sizes = [192, 224], strides = [1, 1]} : vector<192x226xf32> to vector<192x224xf32>
    %add3A_312 = arith.addf %add3A_303, %slice3A_311 : vector<192x224xf32>
    %get3A_313 = arith.index_cast %rem3A_0 : i32 to index
    %get3A_314 = arith.constant 4 : index
    %get3A_315 = arith.constant 0 : index
    %get3A_316 = arith.constant 0 : index
    %get3A_317 = vector.load %arg6[%get3A_313, %get3A_314, %get3A_315, %get3A_316] : memref<2x10x96x226xf32, #tpu.memory_space<vmem>>, vector<1x1x96x226xf32>
    %get3A_318 = vector.shape_cast %get3A_317 : vector<1x1x96x226xf32> to vector<96x226xf32>
    %get3A_319 = arith.constant 6 : index
    %get3A_320 = arith.constant 0 : index
    %get3A_321 = arith.constant 0 : index
    %get3A_322 = vector.load %arg3[%get3A_319, %get3A_320, %get3A_321] : memref<9x192x96xf32, #tpu.memory_space<vmem>>, vector<1x192x96xf32>
    %get3A_323 = vector.shape_cast %get3A_322 : vector<1x192x96xf32> to vector<192x96xf32>
    %dot_general3A_324 = arith.constant dense<0.000000e+00> : vector<192x226xf32>
    %dot_general3A_325 = tpu.matmul %get3A_323, %get3A_318, %dot_general3A_324 {dimension_numbers = #tpu.dot_dimension_numbers<[1], [0], [0], [1], [0, 0, 1, 1], [], []>, transpose_lhs_hint = false} : vector<192x96xf32>, vector<96x226xf32>, vector<192x226xf32> -> vector<192x226xf32>
    %slice3A_326 = vector.extract_strided_slice %dot_general3A_325 {offsets = [0, 0], sizes = [192, 224], strides = [1, 1]} : vector<192x226xf32> to vector<192x224xf32>
    %add3A_327 = arith.addf %add3A_312, %slice3A_326 : vector<192x224xf32>
    %get3A_328 = arith.constant 7 : index
    %get3A_329 = arith.constant 0 : index
    %get3A_330 = arith.constant 0 : index
    %get3A_331 = vector.load %arg3[%get3A_328, %get3A_329, %get3A_330] : memref<9x192x96xf32, #tpu.memory_space<vmem>>, vector<1x192x96xf32>
    %get3A_332 = vector.shape_cast %get3A_331 : vector<1x192x96xf32> to vector<192x96xf32>
    %dot_general3A_333 = arith.constant dense<0.000000e+00> : vector<192x226xf32>
    %dot_general3A_334 = tpu.matmul %get3A_332, %get3A_318, %dot_general3A_333 {dimension_numbers = #tpu.dot_dimension_numbers<[1], [0], [0], [1], [0, 0, 1, 1], [], []>, transpose_lhs_hint = false} : vector<192x96xf32>, vector<96x226xf32>, vector<192x226xf32> -> vector<192x226xf32>
    %slice3A_335 = vector.extract_strided_slice %dot_general3A_334 {offsets = [0, 1], sizes = [192, 224], strides = [1, 1]} : vector<192x226xf32> to vector<192x224xf32>
    %add3A_336 = arith.addf %add3A_327, %slice3A_335 : vector<192x224xf32>
    %get3A_337 = arith.constant 8 : index
    %get3A_338 = arith.constant 0 : index
    %get3A_339 = arith.constant 0 : index
    %get3A_340 = vector.load %arg3[%get3A_337, %get3A_338, %get3A_339] : memref<9x192x96xf32, #tpu.memory_space<vmem>>, vector<1x192x96xf32>
    %get3A_341 = vector.shape_cast %get3A_340 : vector<1x192x96xf32> to vector<192x96xf32>
    %dot_general3A_342 = arith.constant dense<0.000000e+00> : vector<192x226xf32>
    %dot_general3A_343 = tpu.matmul %get3A_341, %get3A_318, %dot_general3A_342 {dimension_numbers = #tpu.dot_dimension_numbers<[1], [0], [0], [1], [0, 0, 1, 1], [], []>, transpose_lhs_hint = false} : vector<192x96xf32>, vector<96x226xf32>, vector<192x226xf32> -> vector<192x226xf32>
    %slice3A_344 = vector.extract_strided_slice %dot_general3A_343 {offsets = [0, 2], sizes = [192, 224], strides = [1, 1]} : vector<192x226xf32> to vector<192x224xf32>
    %add3A_345 = arith.addf %add3A_336, %slice3A_344 : vector<192x224xf32>
    %mul3A_346 = vector.broadcast %get3A_23 : vector<192x1xf32> to vector<192x224xf32>
    %mul3A_347 = arith.mulf %add3A_345, %mul3A_346 : vector<192x224xf32>
    %add3A_348 = vector.broadcast %get3A_26 : vector<192x1xf32> to vector<192x224xf32>
    %add3A_349 = arith.addf %mul3A_347, %add3A_348 : vector<192x224xf32>
    %swap3A_350 = arith.constant 0 : index
    %swap3A_351 = arith.constant 2 : index
    %swap3A_352 = arith.constant 0 : index
    %swap3A_353 = vector.load %arg5[%swap3A_350, %swap3A_351, %swap3A_352] : memref<192x8x224xf32, #tpu.memory_space<vmem>>, vector<192x1x224xf32>
    %swap3A_354 = vector.shape_cast %swap3A_353 : vector<192x1x224xf32> to vector<192x224xf32>
    %swap3A_355 = vector.shape_cast %add3A_349 : vector<192x224xf32> to vector<192x1x224xf32>
    tpu.vector_store %arg5[%swap3A_350, %swap3A_351, %swap3A_352], %swap3A_355 {strides = array<i32>} : memref<192x8x224xf32, #tpu.memory_space<vmem>>, vector<192x1x224xf32>,
    %broadcast_in_dim3A_356 = arith.constant 0.000000e+00 : f32
    %broadcast_in_dim3A_357 = vector.broadcast %broadcast_in_dim3A_356 : f32 to vector<192x224xf32>
    %get3A_358 = arith.index_cast %rem3A_0 : i32 to index
    %get3A_359 = arith.constant 3 : index
    %get3A_360 = arith.constant 0 : index
    %get3A_361 = arith.constant 0 : index
    %get3A_362 = vector.load %arg6[%get3A_358, %get3A_359, %get3A_360, %get3A_361] : memref<2x10x96x226xf32, #tpu.memory_space<vmem>>, vector<1x1x96x226xf32>
    %get3A_363 = vector.shape_cast %get3A_362 : vector<1x1x96x226xf32> to vector<96x226xf32>
    %get3A_364 = arith.constant 0 : index
    %get3A_365 = arith.constant 0 : index
    %get3A_366 = arith.constant 0 : index
    %get3A_367 = vector.load %arg3[%get3A_364, %get3A_365, %get3A_366] : memref<9x192x96xf32, #tpu.memory_space<vmem>>, vector<1x192x96xf32>
    %get3A_368 = vector.shape_cast %get3A_367 : vector<1x192x96xf32> to vector<192x96xf32>
    %dot_general3A_369 = arith.constant dense<0.000000e+00> : vector<192x226xf32>
    %dot_general3A_370 = tpu.matmul %get3A_368, %get3A_363, %dot_general3A_369 {dimension_numbers = #tpu.dot_dimension_numbers<[1], [0], [0], [1], [0, 0, 1, 1], [], []>, transpose_lhs_hint = false} : vector<192x96xf32>, vector<96x226xf32>, vector<192x226xf32> -> vector<192x226xf32>
    %slice3A_371 = vector.extract_strided_slice %dot_general3A_370 {offsets = [0, 0], sizes = [192, 224], strides = [1, 1]} : vector<192x226xf32> to vector<192x224xf32>
    %add3A_372 = arith.addf %broadcast_in_dim3A_357, %slice3A_371 : vector<192x224xf32>
    %get3A_373 = arith.constant 1 : index
    %get3A_374 = arith.constant 0 : index
    %get3A_375 = arith.constant 0 : index
    %get3A_376 = vector.load %arg3[%get3A_373, %get3A_374, %get3A_375] : memref<9x192x96xf32, #tpu.memory_space<vmem>>, vector<1x192x96xf32>
    %get3A_377 = vector.shape_cast %get3A_376 : vector<1x192x96xf32> to vector<192x96xf32>
    %dot_general3A_378 = arith.constant dense<0.000000e+00> : vector<192x226xf32>
    %dot_general3A_379 = tpu.matmul %get3A_377, %get3A_363, %dot_general3A_378 {dimension_numbers = #tpu.dot_dimension_numbers<[1], [0], [0], [1], [0, 0, 1, 1], [], []>, transpose_lhs_hint = false} : vector<192x96xf32>, vector<96x226xf32>, vector<192x226xf32> -> vector<192x226xf32>
    %slice3A_380 = vector.extract_strided_slice %dot_general3A_379 {offsets = [0, 1], sizes = [192, 224], strides = [1, 1]} : vector<192x226xf32> to vector<192x224xf32>
    %add3A_381 = arith.addf %add3A_372, %slice3A_380 : vector<192x224xf32>
    %get3A_382 = arith.constant 2 : index
    %get3A_383 = arith.constant 0 : index
    %get3A_384 = arith.constant 0 : index
    %get3A_385 = vector.load %arg3[%get3A_382, %get3A_383, %get3A_384] : memref<9x192x96xf32, #tpu.memory_space<vmem>>, vector<1x192x96xf32>
    %get3A_386 = vector.shape_cast %get3A_385 : vector<1x192x96xf32> to vector<192x96xf32>
    %dot_general3A_387 = arith.constant dense<0.000000e+00> : vector<192x226xf32>
    %dot_general3A_388 = tpu.matmul %get3A_386, %get3A_363, %dot_general3A_387 {dimension_numbers = #tpu.dot_dimension_numbers<[1], [0], [0], [1], [0, 0, 1, 1], [], []>, transpose_lhs_hint = false} : vector<192x96xf32>, vector<96x226xf32>, vector<192x226xf32> -> vector<192x226xf32>
    %slice3A_389 = vector.extract_strided_slice %dot_general3A_388 {offsets = [0, 2], sizes = [192, 224], strides = [1, 1]} : vector<192x226xf32> to vector<192x224xf32>
    %add3A_390 = arith.addf %add3A_381, %slice3A_389 : vector<192x224xf32>
    %get3A_391 = arith.index_cast %rem3A_0 : i32 to index
    %get3A_392 = arith.constant 4 : index
    %get3A_393 = arith.constant 0 : index
    %get3A_394 = arith.constant 0 : index
    %get3A_395 = vector.load %arg6[%get3A_391, %get3A_392, %get3A_393, %get3A_394] : memref<2x10x96x226xf32, #tpu.memory_space<vmem>>, vector<1x1x96x226xf32>
    %get3A_396 = vector.shape_cast %get3A_395 : vector<1x1x96x226xf32> to vector<96x226xf32>
    %get3A_397 = arith.constant 3 : index
    %get3A_398 = arith.constant 0 : index
    %get3A_399 = arith.constant 0 : index
    %get3A_400 = vector.load %arg3[%get3A_397, %get3A_398, %get3A_399] : memref<9x192x96xf32, #tpu.memory_space<vmem>>, vector<1x192x96xf32>
    %get3A_401 = vector.shape_cast %get3A_400 : vector<1x192x96xf32> to vector<192x96xf32>
    %dot_general3A_402 = arith.constant dense<0.000000e+00> : vector<192x226xf32>
    %dot_general3A_403 = tpu.matmul %get3A_401, %get3A_396, %dot_general3A_402 {dimension_numbers = #tpu.dot_dimension_numbers<[1], [0], [0], [1], [0, 0, 1, 1], [], []>, transpose_lhs_hint = false} : vector<192x96xf32>, vector<96x226xf32>, vector<192x226xf32> -> vector<192x226xf32>
    %slice3A_404 = vector.extract_strided_slice %dot_general3A_403 {offsets = [0, 0], sizes = [192, 224], strides = [1, 1]} : vector<192x226xf32> to vector<192x224xf32>
    %add3A_405 = arith.addf %add3A_390, %slice3A_404 : vector<192x224xf32>
    %get3A_406 = arith.constant 4 : index
    %get3A_407 = arith.constant 0 : index
    %get3A_408 = arith.constant 0 : index
    %get3A_409 = vector.load %arg3[%get3A_406, %get3A_407, %get3A_408] : memref<9x192x96xf32, #tpu.memory_space<vmem>>, vector<1x192x96xf32>
    %get3A_410 = vector.shape_cast %get3A_409 : vector<1x192x96xf32> to vector<192x96xf32>
    %dot_general3A_411 = arith.constant dense<0.000000e+00> : vector<192x226xf32>
    %dot_general3A_412 = tpu.matmul %get3A_410, %get3A_396, %dot_general3A_411 {dimension_numbers = #tpu.dot_dimension_numbers<[1], [0], [0], [1], [0, 0, 1, 1], [], []>, transpose_lhs_hint = false} : vector<192x96xf32>, vector<96x226xf32>, vector<192x226xf32> -> vector<192x226xf32>
    %slice3A_413 = vector.extract_strided_slice %dot_general3A_412 {offsets = [0, 1], sizes = [192, 224], strides = [1, 1]} : vector<192x226xf32> to vector<192x224xf32>
    %add3A_414 = arith.addf %add3A_405, %slice3A_413 : vector<192x224xf32>
    %get3A_415 = arith.constant 5 : index
    %get3A_416 = arith.constant 0 : index
    %get3A_417 = arith.constant 0 : index
    %get3A_418 = vector.load %arg3[%get3A_415, %get3A_416, %get3A_417] : memref<9x192x96xf32, #tpu.memory_space<vmem>>, vector<1x192x96xf32>
    %get3A_419 = vector.shape_cast %get3A_418 : vector<1x192x96xf32> to vector<192x96xf32>
    %dot_general3A_420 = arith.constant dense<0.000000e+00> : vector<192x226xf32>
    %dot_general3A_421 = tpu.matmul %get3A_419, %get3A_396, %dot_general3A_420 {dimension_numbers = #tpu.dot_dimension_numbers<[1], [0], [0], [1], [0, 0, 1, 1], [], []>, transpose_lhs_hint = false} : vector<192x96xf32>, vector<96x226xf32>, vector<192x226xf32> -> vector<192x226xf32>
    %slice3A_422 = vector.extract_strided_slice %dot_general3A_421 {offsets = [0, 2], sizes = [192, 224], strides = [1, 1]} : vector<192x226xf32> to vector<192x224xf32>
    %add3A_423 = arith.addf %add3A_414, %slice3A_422 : vector<192x224xf32>
    %get3A_424 = arith.index_cast %rem3A_0 : i32 to index
    %get3A_425 = arith.constant 5 : index
    %get3A_426 = arith.constant 0 : index
    %get3A_427 = arith.constant 0 : index
    %get3A_428 = vector.load %arg6[%get3A_424, %get3A_425, %get3A_426, %get3A_427] : memref<2x10x96x226xf32, #tpu.memory_space<vmem>>, vector<1x1x96x226xf32>
    %get3A_429 = vector.shape_cast %get3A_428 : vector<1x1x96x226xf32> to vector<96x226xf32>
    %get3A_430 = arith.constant 6 : index
    %get3A_431 = arith.constant 0 : index
    %get3A_432 = arith.constant 0 : index
    %get3A_433 = vector.load %arg3[%get3A_430, %get3A_431, %get3A_432] : memref<9x192x96xf32, #tpu.memory_space<vmem>>, vector<1x192x96xf32>
    %get3A_434 = vector.shape_cast %get3A_433 : vector<1x192x96xf32> to vector<192x96xf32>
    %dot_general3A_435 = arith.constant dense<0.000000e+00> : vector<192x226xf32>
    %dot_general3A_436 = tpu.matmul %get3A_434, %get3A_429, %dot_general3A_435 {dimension_numbers = #tpu.dot_dimension_numbers<[1], [0], [0], [1], [0, 0, 1, 1], [], []>, transpose_lhs_hint = false} : vector<192x96xf32>, vector<96x226xf32>, vector<192x226xf32> -> vector<192x226xf32>
    %slice3A_437 = vector.extract_strided_slice %dot_general3A_436 {offsets = [0, 0], sizes = [192, 224], strides = [1, 1]} : vector<192x226xf32> to vector<192x224xf32>
    %add3A_438 = arith.addf %add3A_423, %slice3A_437 : vector<192x224xf32>
    %get3A_439 = arith.constant 7 : index
    %get3A_440 = arith.constant 0 : index
    %get3A_441 = arith.constant 0 : index
    %get3A_442 = vector.load %arg3[%get3A_439, %get3A_440, %get3A_441] : memref<9x192x96xf32, #tpu.memory_space<vmem>>, vector<1x192x96xf32>
    %get3A_443 = vector.shape_cast %get3A_442 : vector<1x192x96xf32> to vector<192x96xf32>
    %dot_general3A_444 = arith.constant dense<0.000000e+00> : vector<192x226xf32>
    %dot_general3A_445 = tpu.matmul %get3A_443, %get3A_429, %dot_general3A_444 {dimension_numbers = #tpu.dot_dimension_numbers<[1], [0], [0], [1], [0, 0, 1, 1], [], []>, transpose_lhs_hint = false} : vector<192x96xf32>, vector<96x226xf32>, vector<192x226xf32> -> vector<192x226xf32>
    %slice3A_446 = vector.extract_strided_slice %dot_general3A_445 {offsets = [0, 1], sizes = [192, 224], strides = [1, 1]} : vector<192x226xf32> to vector<192x224xf32>
    %add3A_447 = arith.addf %add3A_438, %slice3A_446 : vector<192x224xf32>
    %get3A_448 = arith.constant 8 : index
    %get3A_449 = arith.constant 0 : index
    %get3A_450 = arith.constant 0 : index
    %get3A_451 = vector.load %arg3[%get3A_448, %get3A_449, %get3A_450] : memref<9x192x96xf32, #tpu.memory_space<vmem>>, vector<1x192x96xf32>
    %get3A_452 = vector.shape_cast %get3A_451 : vector<1x192x96xf32> to vector<192x96xf32>
    %dot_general3A_453 = arith.constant dense<0.000000e+00> : vector<192x226xf32>
    %dot_general3A_454 = tpu.matmul %get3A_452, %get3A_429, %dot_general3A_453 {dimension_numbers = #tpu.dot_dimension_numbers<[1], [0], [0], [1], [0, 0, 1, 1], [], []>, transpose_lhs_hint = false} : vector<192x96xf32>, vector<96x226xf32>, vector<192x226xf32> -> vector<192x226xf32>
    %slice3A_455 = vector.extract_strided_slice %dot_general3A_454 {offsets = [0, 2], sizes = [192, 224], strides = [1, 1]} : vector<192x226xf32> to vector<192x224xf32>
    %add3A_456 = arith.addf %add3A_447, %slice3A_455 : vector<192x224xf32>
    %mul3A_457 = vector.broadcast %get3A_23 : vector<192x1xf32> to vector<192x224xf32>
    %mul3A_458 = arith.mulf %add3A_456, %mul3A_457 : vector<192x224xf32>
    %add3A_459 = vector.broadcast %get3A_26 : vector<192x1xf32> to vector<192x224xf32>
    %add3A_460 = arith.addf %mul3A_458, %add3A_459 : vector<192x224xf32>
    %swap3A_461 = arith.constant 0 : index
    %swap3A_462 = arith.constant 3 : index
    %swap3A_463 = arith.constant 0 : index
    %swap3A_464 = vector.load %arg5[%swap3A_461, %swap3A_462, %swap3A_463] : memref<192x8x224xf32, #tpu.memory_space<vmem>>, vector<192x1x224xf32>
    %swap3A_465 = vector.shape_cast %swap3A_464 : vector<192x1x224xf32> to vector<192x224xf32>
    %swap3A_466 = vector.shape_cast %add3A_460 : vector<192x224xf32> to vector<192x1x224xf32>
    tpu.vector_store %arg5[%swap3A_461, %swap3A_462, %swap3A_463], %swap3A_466 {strides = array<i32>} : memref<192x8x224xf32, #tpu.memory_space<vmem>>, vector<192x1x224xf32>,
    %broadcast_in_dim3A_467 = arith.constant 0.000000e+00 : f32
    %broadcast_in_dim3A_468 = vector.broadcast %broadcast_in_dim3A_467 : f32 to vector<192x224xf32>
    %get3A_469 = arith.index_cast %rem3A_0 : i32 to index
    %get3A_470 = arith.constant 4 : index
    %get3A_471 = arith.constant 0 : index
    %get3A_472 = arith.constant 0 : index
    %get3A_473 = vector.load %arg6[%get3A_469, %get3A_470, %get3A_471, %get3A_472] : memref<2x10x96x226xf32, #tpu.memory_space<vmem>>, vector<1x1x96x226xf32>
    %get3A_474 = vector.shape_cast %get3A_473 : vector<1x1x96x226xf32> to vector<96x226xf32>
    %get3A_475 = arith.constant 0 : index
    %get3A_476 = arith.constant 0 : index
    %get3A_477 = arith.constant 0 : index
    %get3A_478 = vector.load %arg3[%get3A_475, %get3A_476, %get3A_477] : memref<9x192x96xf32, #tpu.memory_space<vmem>>, vector<1x192x96xf32>
    %get3A_479 = vector.shape_cast %get3A_478 : vector<1x192x96xf32> to vector<192x96xf32>
    %dot_general3A_480 = arith.constant dense<0.000000e+00> : vector<192x226xf32>
    %dot_general3A_481 = tpu.matmul %get3A_479, %get3A_474, %dot_general3A_480 {dimension_numbers = #tpu.dot_dimension_numbers<[1], [0], [0], [1], [0, 0, 1, 1], [], []>, transpose_lhs_hint = false} : vector<192x96xf32>, vector<96x226xf32>, vector<192x226xf32> -> vector<192x226xf32>
    %slice3A_482 = vector.extract_strided_slice %dot_general3A_481 {offsets = [0, 0], sizes = [192, 224], strides = [1, 1]} : vector<192x226xf32> to vector<192x224xf32>
    %add3A_483 = arith.addf %broadcast_in_dim3A_468, %slice3A_482 : vector<192x224xf32>
    %get3A_484 = arith.constant 1 : index
    %get3A_485 = arith.constant 0 : index
    %get3A_486 = arith.constant 0 : index
    %get3A_487 = vector.load %arg3[%get3A_484, %get3A_485, %get3A_486] : memref<9x192x96xf32, #tpu.memory_space<vmem>>, vector<1x192x96xf32>
    %get3A_488 = vector.shape_cast %get3A_487 : vector<1x192x96xf32> to vector<192x96xf32>
    %dot_general3A_489 = arith.constant dense<0.000000e+00> : vector<192x226xf32>
    %dot_general3A_490 = tpu.matmul %get3A_488, %get3A_474, %dot_general3A_489 {dimension_numbers = #tpu.dot_dimension_numbers<[1], [0], [0], [1], [0, 0, 1, 1], [], []>, transpose_lhs_hint = false} : vector<192x96xf32>, vector<96x226xf32>, vector<192x226xf32> -> vector<192x226xf32>
    %slice3A_491 = vector.extract_strided_slice %dot_general3A_490 {offsets = [0, 1], sizes = [192, 224], strides = [1, 1]} : vector<192x226xf32> to vector<192x224xf32>
    %add3A_492 = arith.addf %add3A_483, %slice3A_491 : vector<192x224xf32>
    %get3A_493 = arith.constant 2 : index
    %get3A_494 = arith.constant 0 : index
    %get3A_495 = arith.constant 0 : index
    %get3A_496 = vector.load %arg3[%get3A_493, %get3A_494, %get3A_495] : memref<9x192x96xf32, #tpu.memory_space<vmem>>, vector<1x192x96xf32>
    %get3A_497 = vector.shape_cast %get3A_496 : vector<1x192x96xf32> to vector<192x96xf32>
    %dot_general3A_498 = arith.constant dense<0.000000e+00> : vector<192x226xf32>
    %dot_general3A_499 = tpu.matmul %get3A_497, %get3A_474, %dot_general3A_498 {dimension_numbers = #tpu.dot_dimension_numbers<[1], [0], [0], [1], [0, 0, 1, 1], [], []>, transpose_lhs_hint = false} : vector<192x96xf32>, vector<96x226xf32>, vector<192x226xf32> -> vector<192x226xf32>
    %slice3A_500 = vector.extract_strided_slice %dot_general3A_499 {offsets = [0, 2], sizes = [192, 224], strides = [1, 1]} : vector<192x226xf32> to vector<192x224xf32>
    %add3A_501 = arith.addf %add3A_492, %slice3A_500 : vector<192x224xf32>
    %get3A_502 = arith.index_cast %rem3A_0 : i32 to index
    %get3A_503 = arith.constant 5 : index
    %get3A_504 = arith.constant 0 : index
    %get3A_505 = arith.constant 0 : index
    %get3A_506 = vector.load %arg6[%get3A_502, %get3A_503, %get3A_504, %get3A_505] : memref<2x10x96x226xf32, #tpu.memory_space<vmem>>, vector<1x1x96x226xf32>
    %get3A_507 = vector.shape_cast %get3A_506 : vector<1x1x96x226xf32> to vector<96x226xf32>
    %get3A_508 = arith.constant 3 : index
    %get3A_509 = arith.constant 0 : index
    %get3A_510 = arith.constant 0 : index
    %get3A_511 = vector.load %arg3[%get3A_508, %get3A_509, %get3A_510] : memref<9x192x96xf32, #tpu.memory_space<vmem>>, vector<1x192x96xf32>
    %get3A_512 = vector.shape_cast %get3A_511 : vector<1x192x96xf32> to vector<192x96xf32>
    %dot_general3A_513 = arith.constant dense<0.000000e+00> : vector<192x226xf32>
    %dot_general3A_514 = tpu.matmul %get3A_512, %get3A_507, %dot_general3A_513 {dimension_numbers = #tpu.dot_dimension_numbers<[1], [0], [0], [1], [0, 0, 1, 1], [], []>, transpose_lhs_hint = false} : vector<192x96xf32>, vector<96x226xf32>, vector<192x226xf32> -> vector<192x226xf32>
    %slice3A_515 = vector.extract_strided_slice %dot_general3A_514 {offsets = [0, 0], sizes = [192, 224], strides = [1, 1]} : vector<192x226xf32> to vector<192x224xf32>
    %add3A_516 = arith.addf %add3A_501, %slice3A_515 : vector<192x224xf32>
    %get3A_517 = arith.constant 4 : index
    %get3A_518 = arith.constant 0 : index
    %get3A_519 = arith.constant 0 : index
    %get3A_520 = vector.load %arg3[%get3A_517, %get3A_518, %get3A_519] : memref<9x192x96xf32, #tpu.memory_space<vmem>>, vector<1x192x96xf32>
    %get3A_521 = vector.shape_cast %get3A_520 : vector<1x192x96xf32> to vector<192x96xf32>
    %dot_general3A_522 = arith.constant dense<0.000000e+00> : vector<192x226xf32>
    %dot_general3A_523 = tpu.matmul %get3A_521, %get3A_507, %dot_general3A_522 {dimension_numbers = #tpu.dot_dimension_numbers<[1], [0], [0], [1], [0, 0, 1, 1], [], []>, transpose_lhs_hint = false} : vector<192x96xf32>, vector<96x226xf32>, vector<192x226xf32> -> vector<192x226xf32>
    %slice3A_524 = vector.extract_strided_slice %dot_general3A_523 {offsets = [0, 1], sizes = [192, 224], strides = [1, 1]} : vector<192x226xf32> to vector<192x224xf32>
    %add3A_525 = arith.addf %add3A_516, %slice3A_524 : vector<192x224xf32>
    %get3A_526 = arith.constant 5 : index
    %get3A_527 = arith.constant 0 : index
    %get3A_528 = arith.constant 0 : index
    %get3A_529 = vector.load %arg3[%get3A_526, %get3A_527, %get3A_528] : memref<9x192x96xf32, #tpu.memory_space<vmem>>, vector<1x192x96xf32>
    %get3A_530 = vector.shape_cast %get3A_529 : vector<1x192x96xf32> to vector<192x96xf32>
    %dot_general3A_531 = arith.constant dense<0.000000e+00> : vector<192x226xf32>
    %dot_general3A_532 = tpu.matmul %get3A_530, %get3A_507, %dot_general3A_531 {dimension_numbers = #tpu.dot_dimension_numbers<[1], [0], [0], [1], [0, 0, 1, 1], [], []>, transpose_lhs_hint = false} : vector<192x96xf32>, vector<96x226xf32>, vector<192x226xf32> -> vector<192x226xf32>
    %slice3A_533 = vector.extract_strided_slice %dot_general3A_532 {offsets = [0, 2], sizes = [192, 224], strides = [1, 1]} : vector<192x226xf32> to vector<192x224xf32>
    %add3A_534 = arith.addf %add3A_525, %slice3A_533 : vector<192x224xf32>
    %get3A_535 = arith.index_cast %rem3A_0 : i32 to index
    %get3A_536 = arith.constant 6 : index
    %get3A_537 = arith.constant 0 : index
    %get3A_538 = arith.constant 0 : index
    %get3A_539 = vector.load %arg6[%get3A_535, %get3A_536, %get3A_537, %get3A_538] : memref<2x10x96x226xf32, #tpu.memory_space<vmem>>, vector<1x1x96x226xf32>
    %get3A_540 = vector.shape_cast %get3A_539 : vector<1x1x96x226xf32> to vector<96x226xf32>
    %get3A_541 = arith.constant 6 : index
    %get3A_542 = arith.constant 0 : index
    %get3A_543 = arith.constant 0 : index
    %get3A_544 = vector.load %arg3[%get3A_541, %get3A_542, %get3A_543] : memref<9x192x96xf32, #tpu.memory_space<vmem>>, vector<1x192x96xf32>
    %get3A_545 = vector.shape_cast %get3A_544 : vector<1x192x96xf32> to vector<192x96xf32>
    %dot_general3A_546 = arith.constant dense<0.000000e+00> : vector<192x226xf32>
    %dot_general3A_547 = tpu.matmul %get3A_545, %get3A_540, %dot_general3A_546 {dimension_numbers = #tpu.dot_dimension_numbers<[1], [0], [0], [1], [0, 0, 1, 1], [], []>, transpose_lhs_hint = false} : vector<192x96xf32>, vector<96x226xf32>, vector<192x226xf32> -> vector<192x226xf32>
    %slice3A_548 = vector.extract_strided_slice %dot_general3A_547 {offsets = [0, 0], sizes = [192, 224], strides = [1, 1]} : vector<192x226xf32> to vector<192x224xf32>
    %add3A_549 = arith.addf %add3A_534, %slice3A_548 : vector<192x224xf32>
    %get3A_550 = arith.constant 7 : index
    %get3A_551 = arith.constant 0 : index
    %get3A_552 = arith.constant 0 : index
    %get3A_553 = vector.load %arg3[%get3A_550, %get3A_551, %get3A_552] : memref<9x192x96xf32, #tpu.memory_space<vmem>>, vector<1x192x96xf32>
    %get3A_554 = vector.shape_cast %get3A_553 : vector<1x192x96xf32> to vector<192x96xf32>
    %dot_general3A_555 = arith.constant dense<0.000000e+00> : vector<192x226xf32>
    %dot_general3A_556 = tpu.matmul %get3A_554, %get3A_540, %dot_general3A_555 {dimension_numbers = #tpu.dot_dimension_numbers<[1], [0], [0], [1], [0, 0, 1, 1], [], []>, transpose_lhs_hint = false} : vector<192x96xf32>, vector<96x226xf32>, vector<192x226xf32> -> vector<192x226xf32>
    %slice3A_557 = vector.extract_strided_slice %dot_general3A_556 {offsets = [0, 1], sizes = [192, 224], strides = [1, 1]} : vector<192x226xf32> to vector<192x224xf32>
    %add3A_558 = arith.addf %add3A_549, %slice3A_557 : vector<192x224xf32>
    %get3A_559 = arith.constant 8 : index
    %get3A_560 = arith.constant 0 : index
    %get3A_561 = arith.constant 0 : index
    %get3A_562 = vector.load %arg3[%get3A_559, %get3A_560, %get3A_561] : memref<9x192x96xf32, #tpu.memory_space<vmem>>, vector<1x192x96xf32>
    %get3A_563 = vector.shape_cast %get3A_562 : vector<1x192x96xf32> to vector<192x96xf32>
    %dot_general3A_564 = arith.constant dense<0.000000e+00> : vector<192x226xf32>
    %dot_general3A_565 = tpu.matmul %get3A_563, %get3A_540, %dot_general3A_564 {dimension_numbers = #tpu.dot_dimension_numbers<[1], [0], [0], [1], [0, 0, 1, 1], [], []>, transpose_lhs_hint = false} : vector<192x96xf32>, vector<96x226xf32>, vector<192x226xf32> -> vector<192x226xf32>
    %slice3A_566 = vector.extract_strided_slice %dot_general3A_565 {offsets = [0, 2], sizes = [192, 224], strides = [1, 1]} : vector<192x226xf32> to vector<192x224xf32>
    %add3A_567 = arith.addf %add3A_558, %slice3A_566 : vector<192x224xf32>
    %mul3A_568 = vector.broadcast %get3A_23 : vector<192x1xf32> to vector<192x224xf32>
    %mul3A_569 = arith.mulf %add3A_567, %mul3A_568 : vector<192x224xf32>
    %add3A_570 = vector.broadcast %get3A_26 : vector<192x1xf32> to vector<192x224xf32>
    %add3A_571 = arith.addf %mul3A_569, %add3A_570 : vector<192x224xf32>
    %swap3A_572 = arith.constant 0 : index
    %swap3A_573 = arith.constant 4 : index
    %swap3A_574 = arith.constant 0 : index
    %swap3A_575 = vector.load %arg5[%swap3A_572, %swap3A_573, %swap3A_574] : memref<192x8x224xf32, #tpu.memory_space<vmem>>, vector<192x1x224xf32>
    %swap3A_576 = vector.shape_cast %swap3A_575 : vector<192x1x224xf32> to vector<192x224xf32>
    %swap3A_577 = vector.shape_cast %add3A_571 : vector<192x224xf32> to vector<192x1x224xf32>
    tpu.vector_store %arg5[%swap3A_572, %swap3A_573, %swap3A_574], %swap3A_577 {strides = array<i32>} : memref<192x8x224xf32, #tpu.memory_space<vmem>>, vector<192x1x224xf32>,
    %broadcast_in_dim3A_578 = arith.constant 0.000000e+00 : f32
    %broadcast_in_dim3A_579 = vector.broadcast %broadcast_in_dim3A_578 : f32 to vector<192x224xf32>
    %get3A_580 = arith.index_cast %rem3A_0 : i32 to index
    %get3A_581 = arith.constant 5 : index
    %get3A_582 = arith.constant 0 : index
    %get3A_583 = arith.constant 0 : index
    %get3A_584 = vector.load %arg6[%get3A_580, %get3A_581, %get3A_582, %get3A_583] : memref<2x10x96x226xf32, #tpu.memory_space<vmem>>, vector<1x1x96x226xf32>
    %get3A_585 = vector.shape_cast %get3A_584 : vector<1x1x96x226xf32> to vector<96x226xf32>
    %get3A_586 = arith.constant 0 : index
    %get3A_587 = arith.constant 0 : index
    %get3A_588 = arith.constant 0 : index
    %get3A_589 = vector.load %arg3[%get3A_586, %get3A_587, %get3A_588] : memref<9x192x96xf32, #tpu.memory_space<vmem>>, vector<1x192x96xf32>
    %get3A_590 = vector.shape_cast %get3A_589 : vector<1x192x96xf32> to vector<192x96xf32>
    %dot_general3A_591 = arith.constant dense<0.000000e+00> : vector<192x226xf32>
    %dot_general3A_592 = tpu.matmul %get3A_590, %get3A_585, %dot_general3A_591 {dimension_numbers = #tpu.dot_dimension_numbers<[1], [0], [0], [1], [0, 0, 1, 1], [], []>, transpose_lhs_hint = false} : vector<192x96xf32>, vector<96x226xf32>, vector<192x226xf32> -> vector<192x226xf32>
    %slice3A_593 = vector.extract_strided_slice %dot_general3A_592 {offsets = [0, 0], sizes = [192, 224], strides = [1, 1]} : vector<192x226xf32> to vector<192x224xf32>
    %add3A_594 = arith.addf %broadcast_in_dim3A_579, %slice3A_593 : vector<192x224xf32>
    %get3A_595 = arith.constant 1 : index
    %get3A_596 = arith.constant 0 : index
    %get3A_597 = arith.constant 0 : index
    %get3A_598 = vector.load %arg3[%get3A_595, %get3A_596, %get3A_597] : memref<9x192x96xf32, #tpu.memory_space<vmem>>, vector<1x192x96xf32>
    %get3A_599 = vector.shape_cast %get3A_598 : vector<1x192x96xf32> to vector<192x96xf32>
    %dot_general3A_600 = arith.constant dense<0.000000e+00> : vector<192x226xf32>
    %dot_general3A_601 = tpu.matmul %get3A_599, %get3A_585, %dot_general3A_600 {dimension_numbers = #tpu.dot_dimension_numbers<[1], [0], [0], [1], [0, 0, 1, 1], [], []>, transpose_lhs_hint = false} : vector<192x96xf32>, vector<96x226xf32>, vector<192x226xf32> -> vector<192x226xf32>
    %slice3A_602 = vector.extract_strided_slice %dot_general3A_601 {offsets = [0, 1], sizes = [192, 224], strides = [1, 1]} : vector<192x226xf32> to vector<192x224xf32>
    %add3A_603 = arith.addf %add3A_594, %slice3A_602 : vector<192x224xf32>
    %get3A_604 = arith.constant 2 : index
    %get3A_605 = arith.constant 0 : index
    %get3A_606 = arith.constant 0 : index
    %get3A_607 = vector.load %arg3[%get3A_604, %get3A_605, %get3A_606] : memref<9x192x96xf32, #tpu.memory_space<vmem>>, vector<1x192x96xf32>
    %get3A_608 = vector.shape_cast %get3A_607 : vector<1x192x96xf32> to vector<192x96xf32>
    %dot_general3A_609 = arith.constant dense<0.000000e+00> : vector<192x226xf32>
    %dot_general3A_610 = tpu.matmul %get3A_608, %get3A_585, %dot_general3A_609 {dimension_numbers = #tpu.dot_dimension_numbers<[1], [0], [0], [1], [0, 0, 1, 1], [], []>, transpose_lhs_hint = false} : vector<192x96xf32>, vector<96x226xf32>, vector<192x226xf32> -> vector<192x226xf32>
    %slice3A_611 = vector.extract_strided_slice %dot_general3A_610 {offsets = [0, 2], sizes = [192, 224], strides = [1, 1]} : vector<192x226xf32> to vector<192x224xf32>
    %add3A_612 = arith.addf %add3A_603, %slice3A_611 : vector<192x224xf32>
    %get3A_613 = arith.index_cast %rem3A_0 : i32 to index
    %get3A_614 = arith.constant 6 : index
    %get3A_615 = arith.constant 0 : index
    %get3A_616 = arith.constant 0 : index
    %get3A_617 = vector.load %arg6[%get3A_613, %get3A_614, %get3A_615, %get3A_616] : memref<2x10x96x226xf32, #tpu.memory_space<vmem>>, vector<1x1x96x226xf32>
    %get3A_618 = vector.shape_cast %get3A_617 : vector<1x1x96x226xf32> to vector<96x226xf32>
    %get3A_619 = arith.constant 3 : index
    %get3A_620 = arith.constant 0 : index
    %get3A_621 = arith.constant 0 : index
    %get3A_622 = vector.load %arg3[%get3A_619, %get3A_620, %get3A_621] : memref<9x192x96xf32, #tpu.memory_space<vmem>>, vector<1x192x96xf32>
    %get3A_623 = vector.shape_cast %get3A_622 : vector<1x192x96xf32> to vector<192x96xf32>
    %dot_general3A_624 = arith.constant dense<0.000000e+00> : vector<192x226xf32>
    %dot_general3A_625 = tpu.matmul %get3A_623, %get3A_618, %dot_general3A_624 {dimension_numbers = #tpu.dot_dimension_numbers<[1], [0], [0], [1], [0, 0, 1, 1], [], []>, transpose_lhs_hint = false} : vector<192x96xf32>, vector<96x226xf32>, vector<192x226xf32> -> vector<192x226xf32>
    %slice3A_626 = vector.extract_strided_slice %dot_general3A_625 {offsets = [0, 0], sizes = [192, 224], strides = [1, 1]} : vector<192x226xf32> to vector<192x224xf32>
    %add3A_627 = arith.addf %add3A_612, %slice3A_626 : vector<192x224xf32>
    %get3A_628 = arith.constant 4 : index
    %get3A_629 = arith.constant 0 : index
    %get3A_630 = arith.constant 0 : index
    %get3A_631 = vector.load %arg3[%get3A_628, %get3A_629, %get3A_630] : memref<9x192x96xf32, #tpu.memory_space<vmem>>, vector<1x192x96xf32>
    %get3A_632 = vector.shape_cast %get3A_631 : vector<1x192x96xf32> to vector<192x96xf32>
    %dot_general3A_633 = arith.constant dense<0.000000e+00> : vector<192x226xf32>
    %dot_general3A_634 = tpu.matmul %get3A_632, %get3A_618, %dot_general3A_633 {dimension_numbers = #tpu.dot_dimension_numbers<[1], [0], [0], [1], [0, 0, 1, 1], [], []>, transpose_lhs_hint = false} : vector<192x96xf32>, vector<96x226xf32>, vector<192x226xf32> -> vector<192x226xf32>
    %slice3A_635 = vector.extract_strided_slice %dot_general3A_634 {offsets = [0, 1], sizes = [192, 224], strides = [1, 1]} : vector<192x226xf32> to vector<192x224xf32>
    %add3A_636 = arith.addf %add3A_627, %slice3A_635 : vector<192x224xf32>
    %get3A_637 = arith.constant 5 : index
    %get3A_638 = arith.constant 0 : index
    %get3A_639 = arith.constant 0 : index
    %get3A_640 = vector.load %arg3[%get3A_637, %get3A_638, %get3A_639] : memref<9x192x96xf32, #tpu.memory_space<vmem>>, vector<1x192x96xf32>
    %get3A_641 = vector.shape_cast %get3A_640 : vector<1x192x96xf32> to vector<192x96xf32>
    %dot_general3A_642 = arith.constant dense<0.000000e+00> : vector<192x226xf32>
    %dot_general3A_643 = tpu.matmul %get3A_641, %get3A_618, %dot_general3A_642 {dimension_numbers = #tpu.dot_dimension_numbers<[1], [0], [0], [1], [0, 0, 1, 1], [], []>, transpose_lhs_hint = false} : vector<192x96xf32>, vector<96x226xf32>, vector<192x226xf32> -> vector<192x226xf32>
    %slice3A_644 = vector.extract_strided_slice %dot_general3A_643 {offsets = [0, 2], sizes = [192, 224], strides = [1, 1]} : vector<192x226xf32> to vector<192x224xf32>
    %add3A_645 = arith.addf %add3A_636, %slice3A_644 : vector<192x224xf32>
    %get3A_646 = arith.index_cast %rem3A_0 : i32 to index
    %get3A_647 = arith.constant 7 : index
    %get3A_648 = arith.constant 0 : index
    %get3A_649 = arith.constant 0 : index
    %get3A_650 = vector.load %arg6[%get3A_646, %get3A_647, %get3A_648, %get3A_649] : memref<2x10x96x226xf32, #tpu.memory_space<vmem>>, vector<1x1x96x226xf32>
    %get3A_651 = vector.shape_cast %get3A_650 : vector<1x1x96x226xf32> to vector<96x226xf32>
    %get3A_652 = arith.constant 6 : index
    %get3A_653 = arith.constant 0 : index
    %get3A_654 = arith.constant 0 : index
    %get3A_655 = vector.load %arg3[%get3A_652, %get3A_653, %get3A_654] : memref<9x192x96xf32, #tpu.memory_space<vmem>>, vector<1x192x96xf32>
    %get3A_656 = vector.shape_cast %get3A_655 : vector<1x192x96xf32> to vector<192x96xf32>
    %dot_general3A_657 = arith.constant dense<0.000000e+00> : vector<192x226xf32>
    %dot_general3A_658 = tpu.matmul %get3A_656, %get3A_651, %dot_general3A_657 {dimension_numbers = #tpu.dot_dimension_numbers<[1], [0], [0], [1], [0, 0, 1, 1], [], []>, transpose_lhs_hint = false} : vector<192x96xf32>, vector<96x226xf32>, vector<192x226xf32> -> vector<192x226xf32>
    %slice3A_659 = vector.extract_strided_slice %dot_general3A_658 {offsets = [0, 0], sizes = [192, 224], strides = [1, 1]} : vector<192x226xf32> to vector<192x224xf32>
    %add3A_660 = arith.addf %add3A_645, %slice3A_659 : vector<192x224xf32>
    %get3A_661 = arith.constant 7 : index
    %get3A_662 = arith.constant 0 : index
    %get3A_663 = arith.constant 0 : index
    %get3A_664 = vector.load %arg3[%get3A_661, %get3A_662, %get3A_663] : memref<9x192x96xf32, #tpu.memory_space<vmem>>, vector<1x192x96xf32>
    %get3A_665 = vector.shape_cast %get3A_664 : vector<1x192x96xf32> to vector<192x96xf32>
    %dot_general3A_666 = arith.constant dense<0.000000e+00> : vector<192x226xf32>
    %dot_general3A_667 = tpu.matmul %get3A_665, %get3A_651, %dot_general3A_666 {dimension_numbers = #tpu.dot_dimension_numbers<[1], [0], [0], [1], [0, 0, 1, 1], [], []>, transpose_lhs_hint = false} : vector<192x96xf32>, vector<96x226xf32>, vector<192x226xf32> -> vector<192x226xf32>
    %slice3A_668 = vector.extract_strided_slice %dot_general3A_667 {offsets = [0, 1], sizes = [192, 224], strides = [1, 1]} : vector<192x226xf32> to vector<192x224xf32>
    %add3A_669 = arith.addf %add3A_660, %slice3A_668 : vector<192x224xf32>
    %get3A_670 = arith.constant 8 : index
    %get3A_671 = arith.constant 0 : index
    %get3A_672 = arith.constant 0 : index
    %get3A_673 = vector.load %arg3[%get3A_670, %get3A_671, %get3A_672] : memref<9x192x96xf32, #tpu.memory_space<vmem>>, vector<1x192x96xf32>
    %get3A_674 = vector.shape_cast %get3A_673 : vector<1x192x96xf32> to vector<192x96xf32>
    %dot_general3A_675 = arith.constant dense<0.000000e+00> : vector<192x226xf32>
    %dot_general3A_676 = tpu.matmul %get3A_674, %get3A_651, %dot_general3A_675 {dimension_numbers = #tpu.dot_dimension_numbers<[1], [0], [0], [1], [0, 0, 1, 1], [], []>, transpose_lhs_hint = false} : vector<192x96xf32>, vector<96x226xf32>, vector<192x226xf32> -> vector<192x226xf32>
    %slice3A_677 = vector.extract_strided_slice %dot_general3A_676 {offsets = [0, 2], sizes = [192, 224], strides = [1, 1]} : vector<192x226xf32> to vector<192x224xf32>
    %add3A_678 = arith.addf %add3A_669, %slice3A_677 : vector<192x224xf32>
    %mul3A_679 = vector.broadcast %get3A_23 : vector<192x1xf32> to vector<192x224xf32>
    %mul3A_680 = arith.mulf %add3A_678, %mul3A_679 : vector<192x224xf32>
    %add3A_681 = vector.broadcast %get3A_26 : vector<192x1xf32> to vector<192x224xf32>
    %add3A_682 = arith.addf %mul3A_680, %add3A_681 : vector<192x224xf32>
    %swap3A_683 = arith.constant 0 : index
    %swap3A_684 = arith.constant 5 : index
    %swap3A_685 = arith.constant 0 : index
    %swap3A_686 = vector.load %arg5[%swap3A_683, %swap3A_684, %swap3A_685] : memref<192x8x224xf32, #tpu.memory_space<vmem>>, vector<192x1x224xf32>
    %swap3A_687 = vector.shape_cast %swap3A_686 : vector<192x1x224xf32> to vector<192x224xf32>
    %swap3A_688 = vector.shape_cast %add3A_682 : vector<192x224xf32> to vector<192x1x224xf32>
    tpu.vector_store %arg5[%swap3A_683, %swap3A_684, %swap3A_685], %swap3A_688 {strides = array<i32>} : memref<192x8x224xf32, #tpu.memory_space<vmem>>, vector<192x1x224xf32>,
    %broadcast_in_dim3A_689 = arith.constant 0.000000e+00 : f32
    %broadcast_in_dim3A_690 = vector.broadcast %broadcast_in_dim3A_689 : f32 to vector<192x224xf32>
    %get3A_691 = arith.index_cast %rem3A_0 : i32 to index
    %get3A_692 = arith.constant 6 : index
    %get3A_693 = arith.constant 0 : index
    %get3A_694 = arith.constant 0 : index
    %get3A_695 = vector.load %arg6[%get3A_691, %get3A_692, %get3A_693, %get3A_694] : memref<2x10x96x226xf32, #tpu.memory_space<vmem>>, vector<1x1x96x226xf32>
    %get3A_696 = vector.shape_cast %get3A_695 : vector<1x1x96x226xf32> to vector<96x226xf32>
    %get3A_697 = arith.constant 0 : index
    %get3A_698 = arith.constant 0 : index
    %get3A_699 = arith.constant 0 : index
    %get3A_700 = vector.load %arg3[%get3A_697, %get3A_698, %get3A_699] : memref<9x192x96xf32, #tpu.memory_space<vmem>>, vector<1x192x96xf32>
    %get3A_701 = vector.shape_cast %get3A_700 : vector<1x192x96xf32> to vector<192x96xf32>
    %dot_general3A_702 = arith.constant dense<0.000000e+00> : vector<192x226xf32>
    %dot_general3A_703 = tpu.matmul %get3A_701, %get3A_696, %dot_general3A_702 {dimension_numbers = #tpu.dot_dimension_numbers<[1], [0], [0], [1], [0, 0, 1, 1], [], []>, transpose_lhs_hint = false} : vector<192x96xf32>, vector<96x226xf32>, vector<192x226xf32> -> vector<192x226xf32>
    %slice3A_704 = vector.extract_strided_slice %dot_general3A_703 {offsets = [0, 0], sizes = [192, 224], strides = [1, 1]} : vector<192x226xf32> to vector<192x224xf32>
    %add3A_705 = arith.addf %broadcast_in_dim3A_690, %slice3A_704 : vector<192x224xf32>
    %get3A_706 = arith.constant 1 : index
    %get3A_707 = arith.constant 0 : index
    %get3A_708 = arith.constant 0 : index
    %get3A_709 = vector.load %arg3[%get3A_706, %get3A_707, %get3A_708] : memref<9x192x96xf32, #tpu.memory_space<vmem>>, vector<1x192x96xf32>
    %get3A_710 = vector.shape_cast %get3A_709 : vector<1x192x96xf32> to vector<192x96xf32>
    %dot_general3A_711 = arith.constant dense<0.000000e+00> : vector<192x226xf32>
    %dot_general3A_712 = tpu.matmul %get3A_710, %get3A_696, %dot_general3A_711 {dimension_numbers = #tpu.dot_dimension_numbers<[1], [0], [0], [1], [0, 0, 1, 1], [], []>, transpose_lhs_hint = false} : vector<192x96xf32>, vector<96x226xf32>, vector<192x226xf32> -> vector<192x226xf32>
    %slice3A_713 = vector.extract_strided_slice %dot_general3A_712 {offsets = [0, 1], sizes = [192, 224], strides = [1, 1]} : vector<192x226xf32> to vector<192x224xf32>
    %add3A_714 = arith.addf %add3A_705, %slice3A_713 : vector<192x224xf32>
    %get3A_715 = arith.constant 2 : index
    %get3A_716 = arith.constant 0 : index
    %get3A_717 = arith.constant 0 : index
    %get3A_718 = vector.load %arg3[%get3A_715, %get3A_716, %get3A_717] : memref<9x192x96xf32, #tpu.memory_space<vmem>>, vector<1x192x96xf32>
    %get3A_719 = vector.shape_cast %get3A_718 : vector<1x192x96xf32> to vector<192x96xf32>
    %dot_general3A_720 = arith.constant dense<0.000000e+00> : vector<192x226xf32>
    %dot_general3A_721 = tpu.matmul %get3A_719, %get3A_696, %dot_general3A_720 {dimension_numbers = #tpu.dot_dimension_numbers<[1], [0], [0], [1], [0, 0, 1, 1], [], []>, transpose_lhs_hint = false} : vector<192x96xf32>, vector<96x226xf32>, vector<192x226xf32> -> vector<192x226xf32>
    %slice3A_722 = vector.extract_strided_slice %dot_general3A_721 {offsets = [0, 2], sizes = [192, 224], strides = [1, 1]} : vector<192x226xf32> to vector<192x224xf32>
    %add3A_723 = arith.addf %add3A_714, %slice3A_722 : vector<192x224xf32>
    %get3A_724 = arith.index_cast %rem3A_0 : i32 to index
    %get3A_725 = arith.constant 7 : index
    %get3A_726 = arith.constant 0 : index
    %get3A_727 = arith.constant 0 : index
    %get3A_728 = vector.load %arg6[%get3A_724, %get3A_725, %get3A_726, %get3A_727] : memref<2x10x96x226xf32, #tpu.memory_space<vmem>>, vector<1x1x96x226xf32>
    %get3A_729 = vector.shape_cast %get3A_728 : vector<1x1x96x226xf32> to vector<96x226xf32>
    %get3A_730 = arith.constant 3 : index
    %get3A_731 = arith.constant 0 : index
    %get3A_732 = arith.constant 0 : index
    %get3A_733 = vector.load %arg3[%get3A_730, %get3A_731, %get3A_732] : memref<9x192x96xf32, #tpu.memory_space<vmem>>, vector<1x192x96xf32>
    %get3A_734 = vector.shape_cast %get3A_733 : vector<1x192x96xf32> to vector<192x96xf32>
    %dot_general3A_735 = arith.constant dense<0.000000e+00> : vector<192x226xf32>
    %dot_general3A_736 = tpu.matmul %get3A_734, %get3A_729, %dot_general3A_735 {dimension_numbers = #tpu.dot_dimension_numbers<[1], [0], [0], [1], [0, 0, 1, 1], [], []>, transpose_lhs_hint = false} : vector<192x96xf32>, vector<96x226xf32>, vector<192x226xf32> -> vector<192x226xf32>
    %slice3A_737 = vector.extract_strided_slice %dot_general3A_736 {offsets = [0, 0], sizes = [192, 224], strides = [1, 1]} : vector<192x226xf32> to vector<192x224xf32>
    %add3A_738 = arith.addf %add3A_723, %slice3A_737 : vector<192x224xf32>
    %get3A_739 = arith.constant 4 : index
    %get3A_740 = arith.constant 0 : index
    %get3A_741 = arith.constant 0 : index
    %get3A_742 = vector.load %arg3[%get3A_739, %get3A_740, %get3A_741] : memref<9x192x96xf32, #tpu.memory_space<vmem>>, vector<1x192x96xf32>
    %get3A_743 = vector.shape_cast %get3A_742 : vector<1x192x96xf32> to vector<192x96xf32>
    %dot_general3A_744 = arith.constant dense<0.000000e+00> : vector<192x226xf32>
    %dot_general3A_745 = tpu.matmul %get3A_743, %get3A_729, %dot_general3A_744 {dimension_numbers = #tpu.dot_dimension_numbers<[1], [0], [0], [1], [0, 0, 1, 1], [], []>, transpose_lhs_hint = false} : vector<192x96xf32>, vector<96x226xf32>, vector<192x226xf32> -> vector<192x226xf32>
    %slice3A_746 = vector.extract_strided_slice %dot_general3A_745 {offsets = [0, 1], sizes = [192, 224], strides = [1, 1]} : vector<192x226xf32> to vector<192x224xf32>
    %add3A_747 = arith.addf %add3A_738, %slice3A_746 : vector<192x224xf32>
    %get3A_748 = arith.constant 5 : index
    %get3A_749 = arith.constant 0 : index
    %get3A_750 = arith.constant 0 : index
    %get3A_751 = vector.load %arg3[%get3A_748, %get3A_749, %get3A_750] : memref<9x192x96xf32, #tpu.memory_space<vmem>>, vector<1x192x96xf32>
    %get3A_752 = vector.shape_cast %get3A_751 : vector<1x192x96xf32> to vector<192x96xf32>
    %dot_general3A_753 = arith.constant dense<0.000000e+00> : vector<192x226xf32>
    %dot_general3A_754 = tpu.matmul %get3A_752, %get3A_729, %dot_general3A_753 {dimension_numbers = #tpu.dot_dimension_numbers<[1], [0], [0], [1], [0, 0, 1, 1], [], []>, transpose_lhs_hint = false} : vector<192x96xf32>, vector<96x226xf32>, vector<192x226xf32> -> vector<192x226xf32>
    %slice3A_755 = vector.extract_strided_slice %dot_general3A_754 {offsets = [0, 2], sizes = [192, 224], strides = [1, 1]} : vector<192x226xf32> to vector<192x224xf32>
    %add3A_756 = arith.addf %add3A_747, %slice3A_755 : vector<192x224xf32>
    %get3A_757 = arith.index_cast %rem3A_0 : i32 to index
    %get3A_758 = arith.constant 8 : index
    %get3A_759 = arith.constant 0 : index
    %get3A_760 = arith.constant 0 : index
    %get3A_761 = vector.load %arg6[%get3A_757, %get3A_758, %get3A_759, %get3A_760] : memref<2x10x96x226xf32, #tpu.memory_space<vmem>>, vector<1x1x96x226xf32>
    %get3A_762 = vector.shape_cast %get3A_761 : vector<1x1x96x226xf32> to vector<96x226xf32>
    %get3A_763 = arith.constant 6 : index
    %get3A_764 = arith.constant 0 : index
    %get3A_765 = arith.constant 0 : index
    %get3A_766 = vector.load %arg3[%get3A_763, %get3A_764, %get3A_765] : memref<9x192x96xf32, #tpu.memory_space<vmem>>, vector<1x192x96xf32>
    %get3A_767 = vector.shape_cast %get3A_766 : vector<1x192x96xf32> to vector<192x96xf32>
    %dot_general3A_768 = arith.constant dense<0.000000e+00> : vector<192x226xf32>
    %dot_general3A_769 = tpu.matmul %get3A_767, %get3A_762, %dot_general3A_768 {dimension_numbers = #tpu.dot_dimension_numbers<[1], [0], [0], [1], [0, 0, 1, 1], [], []>, transpose_lhs_hint = false} : vector<192x96xf32>, vector<96x226xf32>, vector<192x226xf32> -> vector<192x226xf32>
    %slice3A_770 = vector.extract_strided_slice %dot_general3A_769 {offsets = [0, 0], sizes = [192, 224], strides = [1, 1]} : vector<192x226xf32> to vector<192x224xf32>
    %add3A_771 = arith.addf %add3A_756, %slice3A_770 : vector<192x224xf32>
    %get3A_772 = arith.constant 7 : index
    %get3A_773 = arith.constant 0 : index
    %get3A_774 = arith.constant 0 : index
    %get3A_775 = vector.load %arg3[%get3A_772, %get3A_773, %get3A_774] : memref<9x192x96xf32, #tpu.memory_space<vmem>>, vector<1x192x96xf32>
    %get3A_776 = vector.shape_cast %get3A_775 : vector<1x192x96xf32> to vector<192x96xf32>
    %dot_general3A_777 = arith.constant dense<0.000000e+00> : vector<192x226xf32>
    %dot_general3A_778 = tpu.matmul %get3A_776, %get3A_762, %dot_general3A_777 {dimension_numbers = #tpu.dot_dimension_numbers<[1], [0], [0], [1], [0, 0, 1, 1], [], []>, transpose_lhs_hint = false} : vector<192x96xf32>, vector<96x226xf32>, vector<192x226xf32> -> vector<192x226xf32>
    %slice3A_779 = vector.extract_strided_slice %dot_general3A_778 {offsets = [0, 1], sizes = [192, 224], strides = [1, 1]} : vector<192x226xf32> to vector<192x224xf32>
    %add3A_780 = arith.addf %add3A_771, %slice3A_779 : vector<192x224xf32>
    %get3A_781 = arith.constant 8 : index
    %get3A_782 = arith.constant 0 : index
    %get3A_783 = arith.constant 0 : index
    %get3A_784 = vector.load %arg3[%get3A_781, %get3A_782, %get3A_783] : memref<9x192x96xf32, #tpu.memory_space<vmem>>, vector<1x192x96xf32>
    %get3A_785 = vector.shape_cast %get3A_784 : vector<1x192x96xf32> to vector<192x96xf32>
    %dot_general3A_786 = arith.constant dense<0.000000e+00> : vector<192x226xf32>
    %dot_general3A_787 = tpu.matmul %get3A_785, %get3A_762, %dot_general3A_786 {dimension_numbers = #tpu.dot_dimension_numbers<[1], [0], [0], [1], [0, 0, 1, 1], [], []>, transpose_lhs_hint = false} : vector<192x96xf32>, vector<96x226xf32>, vector<192x226xf32> -> vector<192x226xf32>
    %slice3A_788 = vector.extract_strided_slice %dot_general3A_787 {offsets = [0, 2], sizes = [192, 224], strides = [1, 1]} : vector<192x226xf32> to vector<192x224xf32>
    %add3A_789 = arith.addf %add3A_780, %slice3A_788 : vector<192x224xf32>
    %mul3A_790 = vector.broadcast %get3A_23 : vector<192x1xf32> to vector<192x224xf32>
    %mul3A_791 = arith.mulf %add3A_789, %mul3A_790 : vector<192x224xf32>
    %add3A_792 = vector.broadcast %get3A_26 : vector<192x1xf32> to vector<192x224xf32>
    %add3A_793 = arith.addf %mul3A_791, %add3A_792 : vector<192x224xf32>
    %swap3A_794 = arith.constant 0 : index
    %swap3A_795 = arith.constant 6 : index
    %swap3A_796 = arith.constant 0 : index
    %swap3A_797 = vector.load %arg5[%swap3A_794, %swap3A_795, %swap3A_796] : memref<192x8x224xf32, #tpu.memory_space<vmem>>, vector<192x1x224xf32>
    %swap3A_798 = vector.shape_cast %swap3A_797 : vector<192x1x224xf32> to vector<192x224xf32>
    %swap3A_799 = vector.shape_cast %add3A_793 : vector<192x224xf32> to vector<192x1x224xf32>
    tpu.vector_store %arg5[%swap3A_794, %swap3A_795, %swap3A_796], %swap3A_799 {strides = array<i32>} : memref<192x8x224xf32, #tpu.memory_space<vmem>>, vector<192x1x224xf32>,
    %broadcast_in_dim3A_800 = arith.constant 0.000000e+00 : f32
    %broadcast_in_dim3A_801 = vector.broadcast %broadcast_in_dim3A_800 : f32 to vector<192x224xf32>
    %get3A_802 = arith.index_cast %rem3A_0 : i32 to index
    %get3A_803 = arith.constant 7 : index
    %get3A_804 = arith.constant 0 : index
    %get3A_805 = arith.constant 0 : index
    %get3A_806 = vector.load %arg6[%get3A_802, %get3A_803, %get3A_804, %get3A_805] : memref<2x10x96x226xf32, #tpu.memory_space<vmem>>, vector<1x1x96x226xf32>
    %get3A_807 = vector.shape_cast %get3A_806 : vector<1x1x96x226xf32> to vector<96x226xf32>
    %get3A_808 = arith.constant 0 : index
    %get3A_809 = arith.constant 0 : index
    %get3A_810 = arith.constant 0 : index
    %get3A_811 = vector.load %arg3[%get3A_808, %get3A_809, %get3A_810] : memref<9x192x96xf32, #tpu.memory_space<vmem>>, vector<1x192x96xf32>
    %get3A_812 = vector.shape_cast %get3A_811 : vector<1x192x96xf32> to vector<192x96xf32>
    %dot_general3A_813 = arith.constant dense<0.000000e+00> : vector<192x226xf32>
    %dot_general3A_814 = tpu.matmul %get3A_812, %get3A_807, %dot_general3A_813 {dimension_numbers = #tpu.dot_dimension_numbers<[1], [0], [0], [1], [0, 0, 1, 1], [], []>, transpose_lhs_hint = false} : vector<192x96xf32>, vector<96x226xf32>, vector<192x226xf32> -> vector<192x226xf32>
    %slice3A_815 = vector.extract_strided_slice %dot_general3A_814 {offsets = [0, 0], sizes = [192, 224], strides = [1, 1]} : vector<192x226xf32> to vector<192x224xf32>
    %add3A_816 = arith.addf %broadcast_in_dim3A_801, %slice3A_815 : vector<192x224xf32>
    %get3A_817 = arith.constant 1 : index
    %get3A_818 = arith.constant 0 : index
    %get3A_819 = arith.constant 0 : index
    %get3A_820 = vector.load %arg3[%get3A_817, %get3A_818, %get3A_819] : memref<9x192x96xf32, #tpu.memory_space<vmem>>, vector<1x192x96xf32>
    %get3A_821 = vector.shape_cast %get3A_820 : vector<1x192x96xf32> to vector<192x96xf32>
    %dot_general3A_822 = arith.constant dense<0.000000e+00> : vector<192x226xf32>
    %dot_general3A_823 = tpu.matmul %get3A_821, %get3A_807, %dot_general3A_822 {dimension_numbers = #tpu.dot_dimension_numbers<[1], [0], [0], [1], [0, 0, 1, 1], [], []>, transpose_lhs_hint = false} : vector<192x96xf32>, vector<96x226xf32>, vector<192x226xf32> -> vector<192x226xf32>
    %slice3A_824 = vector.extract_strided_slice %dot_general3A_823 {offsets = [0, 1], sizes = [192, 224], strides = [1, 1]} : vector<192x226xf32> to vector<192x224xf32>
    %add3A_825 = arith.addf %add3A_816, %slice3A_824 : vector<192x224xf32>
    %get3A_826 = arith.constant 2 : index
    %get3A_827 = arith.constant 0 : index
    %get3A_828 = arith.constant 0 : index
    %get3A_829 = vector.load %arg3[%get3A_826, %get3A_827, %get3A_828] : memref<9x192x96xf32, #tpu.memory_space<vmem>>, vector<1x192x96xf32>
    %get3A_830 = vector.shape_cast %get3A_829 : vector<1x192x96xf32> to vector<192x96xf32>
    %dot_general3A_831 = arith.constant dense<0.000000e+00> : vector<192x226xf32>
    %dot_general3A_832 = tpu.matmul %get3A_830, %get3A_807, %dot_general3A_831 {dimension_numbers = #tpu.dot_dimension_numbers<[1], [0], [0], [1], [0, 0, 1, 1], [], []>, transpose_lhs_hint = false} : vector<192x96xf32>, vector<96x226xf32>, vector<192x226xf32> -> vector<192x226xf32>
    %slice3A_833 = vector.extract_strided_slice %dot_general3A_832 {offsets = [0, 2], sizes = [192, 224], strides = [1, 1]} : vector<192x226xf32> to vector<192x224xf32>
    %add3A_834 = arith.addf %add3A_825, %slice3A_833 : vector<192x224xf32>
    %get3A_835 = arith.index_cast %rem3A_0 : i32 to index
    %get3A_836 = arith.constant 8 : index
    %get3A_837 = arith.constant 0 : index
    %get3A_838 = arith.constant 0 : index
    %get3A_839 = vector.load %arg6[%get3A_835, %get3A_836, %get3A_837, %get3A_838] : memref<2x10x96x226xf32, #tpu.memory_space<vmem>>, vector<1x1x96x226xf32>
    %get3A_840 = vector.shape_cast %get3A_839 : vector<1x1x96x226xf32> to vector<96x226xf32>
    %get3A_841 = arith.constant 3 : index
    %get3A_842 = arith.constant 0 : index
    %get3A_843 = arith.constant 0 : index
    %get3A_844 = vector.load %arg3[%get3A_841, %get3A_842, %get3A_843] : memref<9x192x96xf32, #tpu.memory_space<vmem>>, vector<1x192x96xf32>
    %get3A_845 = vector.shape_cast %get3A_844 : vector<1x192x96xf32> to vector<192x96xf32>
    %dot_general3A_846 = arith.constant dense<0.000000e+00> : vector<192x226xf32>
    %dot_general3A_847 = tpu.matmul %get3A_845, %get3A_840, %dot_general3A_846 {dimension_numbers = #tpu.dot_dimension_numbers<[1], [0], [0], [1], [0, 0, 1, 1], [], []>, transpose_lhs_hint = false} : vector<192x96xf32>, vector<96x226xf32>, vector<192x226xf32> -> vector<192x226xf32>
    %slice3A_848 = vector.extract_strided_slice %dot_general3A_847 {offsets = [0, 0], sizes = [192, 224], strides = [1, 1]} : vector<192x226xf32> to vector<192x224xf32>
    %add3A_849 = arith.addf %add3A_834, %slice3A_848 : vector<192x224xf32>
    %get3A_850 = arith.constant 4 : index
    %get3A_851 = arith.constant 0 : index
    %get3A_852 = arith.constant 0 : index
    %get3A_853 = vector.load %arg3[%get3A_850, %get3A_851, %get3A_852] : memref<9x192x96xf32, #tpu.memory_space<vmem>>, vector<1x192x96xf32>
    %get3A_854 = vector.shape_cast %get3A_853 : vector<1x192x96xf32> to vector<192x96xf32>
    %dot_general3A_855 = arith.constant dense<0.000000e+00> : vector<192x226xf32>
    %dot_general3A_856 = tpu.matmul %get3A_854, %get3A_840, %dot_general3A_855 {dimension_numbers = #tpu.dot_dimension_numbers<[1], [0], [0], [1], [0, 0, 1, 1], [], []>, transpose_lhs_hint = false} : vector<192x96xf32>, vector<96x226xf32>, vector<192x226xf32> -> vector<192x226xf32>
    %slice3A_857 = vector.extract_strided_slice %dot_general3A_856 {offsets = [0, 1], sizes = [192, 224], strides = [1, 1]} : vector<192x226xf32> to vector<192x224xf32>
    %add3A_858 = arith.addf %add3A_849, %slice3A_857 : vector<192x224xf32>
    %get3A_859 = arith.constant 5 : index
    %get3A_860 = arith.constant 0 : index
    %get3A_861 = arith.constant 0 : index
    %get3A_862 = vector.load %arg3[%get3A_859, %get3A_860, %get3A_861] : memref<9x192x96xf32, #tpu.memory_space<vmem>>, vector<1x192x96xf32>
    %get3A_863 = vector.shape_cast %get3A_862 : vector<1x192x96xf32> to vector<192x96xf32>
    %dot_general3A_864 = arith.constant dense<0.000000e+00> : vector<192x226xf32>
    %dot_general3A_865 = tpu.matmul %get3A_863, %get3A_840, %dot_general3A_864 {dimension_numbers = #tpu.dot_dimension_numbers<[1], [0], [0], [1], [0, 0, 1, 1], [], []>, transpose_lhs_hint = false} : vector<192x96xf32>, vector<96x226xf32>, vector<192x226xf32> -> vector<192x226xf32>
    %slice3A_866 = vector.extract_strided_slice %dot_general3A_865 {offsets = [0, 2], sizes = [192, 224], strides = [1, 1]} : vector<192x226xf32> to vector<192x224xf32>
    %add3A_867 = arith.addf %add3A_858, %slice3A_866 : vector<192x224xf32>
    %get3A_868 = arith.index_cast %rem3A_0 : i32 to index
    %get3A_869 = arith.constant 9 : index
    %get3A_870 = arith.constant 0 : index
    %get3A_871 = arith.constant 0 : index
    %get3A_872 = vector.load %arg6[%get3A_868, %get3A_869, %get3A_870, %get3A_871] : memref<2x10x96x226xf32, #tpu.memory_space<vmem>>, vector<1x1x96x226xf32>
    %get3A_873 = vector.shape_cast %get3A_872 : vector<1x1x96x226xf32> to vector<96x226xf32>
    %get3A_874 = arith.constant 6 : index
    %get3A_875 = arith.constant 0 : index
    %get3A_876 = arith.constant 0 : index
    %get3A_877 = vector.load %arg3[%get3A_874, %get3A_875, %get3A_876] : memref<9x192x96xf32, #tpu.memory_space<vmem>>, vector<1x192x96xf32>
    %get3A_878 = vector.shape_cast %get3A_877 : vector<1x192x96xf32> to vector<192x96xf32>
    %dot_general3A_879 = arith.constant dense<0.000000e+00> : vector<192x226xf32>
    %dot_general3A_880 = tpu.matmul %get3A_878, %get3A_873, %dot_general3A_879 {dimension_numbers = #tpu.dot_dimension_numbers<[1], [0], [0], [1], [0, 0, 1, 1], [], []>, transpose_lhs_hint = false} : vector<192x96xf32>, vector<96x226xf32>, vector<192x226xf32> -> vector<192x226xf32>
    %slice3A_881 = vector.extract_strided_slice %dot_general3A_880 {offsets = [0, 0], sizes = [192, 224], strides = [1, 1]} : vector<192x226xf32> to vector<192x224xf32>
    %add3A_882 = arith.addf %add3A_867, %slice3A_881 : vector<192x224xf32>
    %get3A_883 = arith.constant 7 : index
    %get3A_884 = arith.constant 0 : index
    %get3A_885 = arith.constant 0 : index
    %get3A_886 = vector.load %arg3[%get3A_883, %get3A_884, %get3A_885] : memref<9x192x96xf32, #tpu.memory_space<vmem>>, vector<1x192x96xf32>
    %get3A_887 = vector.shape_cast %get3A_886 : vector<1x192x96xf32> to vector<192x96xf32>
    %dot_general3A_888 = arith.constant dense<0.000000e+00> : vector<192x226xf32>
    %dot_general3A_889 = tpu.matmul %get3A_887, %get3A_873, %dot_general3A_888 {dimension_numbers = #tpu.dot_dimension_numbers<[1], [0], [0], [1], [0, 0, 1, 1], [], []>, transpose_lhs_hint = false} : vector<192x96xf32>, vector<96x226xf32>, vector<192x226xf32> -> vector<192x226xf32>
    %slice3A_890 = vector.extract_strided_slice %dot_general3A_889 {offsets = [0, 1], sizes = [192, 224], strides = [1, 1]} : vector<192x226xf32> to vector<192x224xf32>
    %add3A_891 = arith.addf %add3A_882, %slice3A_890 : vector<192x224xf32>
    %get3A_892 = arith.constant 8 : index
    %get3A_893 = arith.constant 0 : index
    %get3A_894 = arith.constant 0 : index
    %get3A_895 = vector.load %arg3[%get3A_892, %get3A_893, %get3A_894] : memref<9x192x96xf32, #tpu.memory_space<vmem>>, vector<1x192x96xf32>
    %get3A_896 = vector.shape_cast %get3A_895 : vector<1x192x96xf32> to vector<192x96xf32>
    %dot_general3A_897 = arith.constant dense<0.000000e+00> : vector<192x226xf32>
    %dot_general3A_898 = tpu.matmul %get3A_896, %get3A_873, %dot_general3A_897 {dimension_numbers = #tpu.dot_dimension_numbers<[1], [0], [0], [1], [0, 0, 1, 1], [], []>, transpose_lhs_hint = false} : vector<192x96xf32>, vector<96x226xf32>, vector<192x226xf32> -> vector<192x226xf32>
    %slice3A_899 = vector.extract_strided_slice %dot_general3A_898 {offsets = [0, 2], sizes = [192, 224], strides = [1, 1]} : vector<192x226xf32> to vector<192x224xf32>
    %add3A_900 = arith.addf %add3A_891, %slice3A_899 : vector<192x224xf32>
    %mul3A_901 = vector.broadcast %get3A_23 : vector<192x1xf32> to vector<192x224xf32>
    %mul3A_902 = arith.mulf %add3A_900, %mul3A_901 : vector<192x224xf32>
    %add3A_903 = vector.broadcast %get3A_26 : vector<192x1xf32> to vector<192x224xf32>
    %add3A_904 = arith.addf %mul3A_902, %add3A_903 : vector<192x224xf32>
    %swap3A_905 = arith.constant 0 : index
    %swap3A_906 = arith.constant 7 : index
    %swap3A_907 = arith.constant 0 : index
    %swap3A_908 = vector.load %arg5[%swap3A_905, %swap3A_906, %swap3A_907] : memref<192x8x224xf32, #tpu.memory_space<vmem>>, vector<192x1x224xf32>
    %swap3A_909 = vector.shape_cast %swap3A_908 : vector<192x1x224xf32> to vector<192x224xf32>
    %swap3A_910 = vector.shape_cast %add3A_904 : vector<192x224xf32> to vector<192x1x224xf32>
    tpu.vector_store %arg5[%swap3A_905, %swap3A_906, %swap3A_907], %swap3A_910 {strides = array<i32>} : memref<192x8x224xf32, #tpu.memory_space<vmem>>, vector<192x1x224xf32>,
    return
  }
  func.func @transform_0(%arg0: i32) -> (i32, i32) {
    %c0_i32 = arith.constant 0 : i32
    %c0_i32_0 = arith.constant 0 : i32
    %c0_i32_1 = arith.constant 0 : i32
    return %c0_i32, %c0_i32_0 : i32, i32
  }
  func.func @transform_1(%arg0: i32) -> (i32, i32) {
    %c0_i32 = arith.constant 0 : i32
    %c0_i32_0 = arith.constant 0 : i32
    %c0_i32_1 = arith.constant 0 : i32
    return %c0_i32, %c0_i32_0 : i32, i32
  }
  func.func @transform_2(%arg0: i32) -> (i32, i32, i32) {
    %c0_i32 = arith.constant 0 : i32
    %c0_i32_0 = arith.constant 0 : i32
    %c0_i32_1 = arith.constant 0 : i32
    %c0_i32_2 = arith.constant 0 : i32
    return %c0_i32, %c0_i32_0, %c0_i32_1 : i32, i32, i32
  }
  func.func @transform_4(%arg0: i32) -> (i32, i32, i32) {
    %c0_i32 = arith.constant 0 : i32
    %c0_i32_0 = arith.constant 0 : i32
    %c0_i32_1 = arith.constant 0 : i32
    return %c0_i32, %arg0, %c0_i32_0 : i32, i32, i32
  }
}

</mosaic_0001>

<sc_bundles>
// kernel: kernel.5.cloned.1.call-start
scs
__scs_entry_jumppad:
0x0: {  	(pc) =	sbr.rel $0x88, $3  }
0x1: {  	(tag) =	ssettag $0x0;
	lr =	simm.s32 $0x1  }
0x2: {  	[smem:$0x3F9A] =	sst lr;
	_ =	strace $0xD0000000  }
0x3: {  	_ = 	snop  }
0x4: {  	_ = 	snop  }
0x5: {  	_ = 	snop  }
0x6: {  	_ = 	snop  }
0x7: {  	_ = 	snop  }
__scs_overlays_trampoline_lowered:
0x8: {  	[smem:$0x3FA9] =	sst s0  }
0x9: {  	[smem:$0x3FAA] =	sst s1  }
0xa: {  	[smem:$0x3FAB] =	sst s2  }
0xb: {  	[smem:$0x3FAC] =	sst s3  }
0xc: {  	[smem:$0x3FAD] =	sst s4  }
0xd: {  	[smem:$0x3FAE] =	sst s5  }
0xe: {  	[smem:$0x3FAF] =	sst s6  }
0xf: {  	[smem:$0x3FB0] =	sst s7  }
0x10: {  	[smem:$0x3FB1] =	sst s8  }
0x11: {  	[smem:$0x3FB2] =	sst s9;
	s0 =	simm.s32 @!p0 $0x0  }
0x12: {  	s1 =	sld [smem:$0x3F98];
	s0 =	simm.s32 @p0 $0x1  }
0x13: {  	[smem:$0x3FB3] =	sst s0;
	s0 =	simm.s32 @!p1 $0x0  }
0x14: {  	s2 =	sld [smem:$0x3F97];
	s0 =	simm.s32 @p1 $0x1  }
0x15: {  	[smem:$0x3FB4] =	sst s0;
	s0 =	simm.s32 @!p2 $0x0  }
0x16: {  	s3 =	sld [smem:$0x3FDB];
	s0 =	simm.s32 @p2 $0x1  }
0x17: {  	s4 =	simm.s32 $0x1BF5;
	[smem:$0x3FB6] =	sst s0  }
0x18: {  	s0 =	sld [smem:$0x3F99];
	_ =	swait.ge [sflag:s4], $0x0  }
0x19: {  	s7 =	sld [smem:$0x3F9A]  }
0x1a: {  	s8 =	sadd.s32 $0xFFFFE003, lr  }
0x1b: {  	s9 =	sadd.s32 $0xFFFFFEF7, lr;
	s5 =	simm.s32 $0xFFFFFFFF;
	p2 =	slt.u32 s8, $0xFFFFF086  }
0x1c: {  	p1 =	slt.u32 s9, $0xF7A;
	s5 =	simm.s32 @!p2 $0x0  }
0x1d: {  	s5 =	simm.s32 @p1 $0x1;
	p0 =	seq.s32 s7, s2  }
0x1e: {  	s7 =	smul.u32 @!p0 $0xF7A, s2;
	p2 =	seq.s32 @!p0 s5, $0x0  }
0x1f: {  	s9 =	smul.u32 $0xF7A, s1;
	s8 =	simm.s32 @!p0 $0x1BF5;
	p2 =	por !p2, p0  }
0x20: {  	[sflag:s8] =	ssyncset.s32 @!p0 $0xFFFFF086;
	s6 =	sadd.s32 @!p0 s3, s7;
	s7 =	simm.s32 @!p0 $0x108  }
0x21: {  	s3 =	sadd.s32 s3, s9;
	s6 =	sadd.s32 @!p0 $0x88, s6;
	s7 =	simm.s32 @p2 $0x1082  }
0x22: {  	[simem:s7], [sflag:s8] =	dma.local @!p0 [hbm:s6], $0xF7A  }
0x23: {  	s9 =	sor.u32 $0xD0000000, s2;
	s6 =	simm.s32 $0x108;
	_ =	swait.ge @!p0 [sflag:s8], $0x0  }
0x24: {  	s3 =	sadd.s32 $0x88, s3;
	s6 =	simm.s32 @!p1 $0x1082;
	[sflag:s4] =	ssyncset.s32 $0xFFFFF086  }
0x25: {  	[simem:s6], [sflag:s4] =	dma.local [hbm:s3], $0xF7A  }
0x26: {  	[smem:$0x3F9A] =	sst s1;
	(tag) =	ssettag s2;
	_ =	strace s9  }
0x27: {  	s1 =	sld [smem:$0x3FAA]  }
0x28: {  	s2 =	sld [smem:$0x3FAB]  }
0x29: {  	s4 =	sld [smem:$0x3FAD]  }
0x2a: {  	p0 =	seq.s32 s5, $0x0;
	s5 =	sld [smem:$0x3FAE]  }
0x2b: {  	s6 =	sld [smem:$0x3FAF]  }
0x2c: {  	s7 =	sld [smem:$0x3FB0]  }
0x2d: {  	s3 =	simm.s32 $0x108;
	s8 =	sld [smem:$0x3FB1]  }
0x2e: {  	s3 =	simm.s32 @!p0 $0x1082;
	s9 =	sld [smem:$0x3FB2]  }
0x2f: {  	lr =	sadd.s32 s0, s3;
	s0 =	sld [smem:$0x3FA9]  }
0x30: {  	s3 =	sld [smem:$0x3FAC]  }
0x31: {  	[smem:$0x3FB5] =	sst s10  }
0x32: {  	s10 =	sld [smem:$0x3FB3];
	_ =	sdelay $0x3  }
0x33: {  	p0 =	seq.s32 s10, $0x1;
	s10 =	sld [smem:$0x3FB5];
	_ =	sdelay $0x3  }
0x34: {  	[smem:$0x3FB5] =	sst s10  }
0x35: {  	s10 =	sld [smem:$0x3FB4];
	_ =	sdelay $0x3  }
0x36: {  	p1 =	seq.s32 s10, $0x1;
	s10 =	sld [smem:$0x3FB5];
	_ =	sdelay $0x3  }
0x37: {  	[smem:$0x3FB5] =	sst s10  }
0x38: {  	s10 =	sld [smem:$0x3FB6]  }
0x39: {  	_ = 	snop;
	(pc) =	sbr.ind lr, $3  }
0x3a: {  	_ = 	snop  }
0x3b: {  	_ = 	snop  }
0x3c: {  	p2 =	seq.s32 s10, $0x1;
	s10 =	sld [smem:$0x3FB5]  }
0x3d: {  	_ =	shalt  }
0x3e: {  	_ =	shalt  }
0x3f: {  	_ =	shalt  }
0x40: {  	_ =	shalt  }
0x41: {  	_ =	shalt  }
0x42: {  	_ =	shalt  }
0x43: {  	_ =	shalt  }
0x44: {  	_ =	shalt  }
0x45: {  	_ =	shalt  }
0x46: {  	_ =	shalt  }
0x47: {  	_ =	shalt  }
0x48: {  	_ =	shalt  }
0x49: {  	_ =	shalt  }
0x4a: {  	_ =	shalt  }
0x4b: {  	_ =	shalt  }
0x4c: {  	_ =	shalt  }
0x4d: {  	_ =	shalt  }
0x4e: {  	_ =	shalt  }
0x4f: {  	_ =	shalt  }
0x50: {  	_ =	shalt  }
0x51: {  	_ =	shalt  }
0x52: {  	_ =	shalt  }
0x53: {  	_ =	shalt  }
0x54: {  	_ =	shalt  }
0x55: {  	_ =	shalt  }
0x56: {  	_ =	shalt  }
0x57: {  	_ =	shalt  }
0x58: {  	_ =	shalt  }
0x59: {  	_ =	shalt  }
0x5a: {  	_ =	shalt  }
0x5b: {  	_ =	shalt  }
0x5c: {  	_ =	shalt  }
0x5d: {  	_ =	shalt  }
0x5e: {  	_ =	shalt  }
0x5f: {  	_ =	shalt  }
0x60: {  	_ =	shalt  }
0x61: {  	_ =	shalt  }
0x62: {  	_ =	shalt  }
0x63: {  	_ =	shalt  }
0x64: {  	_ =	shalt  }
0x65: {  	_ =	shalt  }
0x66: {  	_ =	shalt  }
0x67: {  	_ =	shalt  }
0x68: {  	_ =	shalt  }
0x69: {  	_ =	shalt  }
0x6a: {  	_ =	shalt  }
0x6b: {  	_ =	shalt  }
0x6c: {  	_ =	shalt  }
0x6d: {  	_ =	shalt  }
0x6e: {  	_ =	shalt  }
0x6f: {  	_ =	shalt  }
0x70: {  	_ =	shalt  }
0x71: {  	_ =	shalt  }
0x72: {  	_ =	shalt  }
0x73: {  	_ =	shalt  }
0x74: {  	_ =	shalt  }
0x75: {  	_ =	shalt  }
0x76: {  	_ =	shalt  }
0x77: {  	_ =	shalt  }
0x78: {  	_ =	shalt  }
0x79: {  	_ =	shalt  }
0x7a: {  	_ =	shalt  }
0x7b: {  	_ =	shalt  }
0x7c: {  	_ =	shalt  }
0x7d: {  	_ =	shalt  }
0x7e: {  	_ =	shalt  }
0x7f: {  	_ =	shalt  }
0x80: {  	_ =	shalt  }
0x81: {  	_ =	shalt  }
0x82: {  	_ =	shalt  }
0x83: {  	_ =	shalt  }
0x84: {  	_ =	shalt  }
0x85: {  	_ =	shalt  }
0x86: {  	_ =	shalt  }
0x87: {  	_ =	shalt  }
.Lfunc_end0:
.L_simem_size_0:
called_computation_lowered:
.L_overlay_start_0:
0x88: {  	s2 =	sld [smem:$0x3FD9]  }
0x89: {  	s3 =	sld [smem:$0x3FFE];
	_ =	sdelay $0x1  }
0x8a: {  	s1 =	srdreg.scid  }
0x8b: {  	s0 =	sand.u32 $0x1, s1  }
0x8c: {  	s17 =	sshll.u32 s0, $0xA;
	s2 =	sadd.s32 s3, s2  }
0x8d: {  	s2 =	sadd.s32 s2, s17  }
0x8e: {  	[smem:$0x3FC1] =	sst s2  }
0x8f: {  	_ = 	snop  }
0x90: {  	s2 =	sld [smem:$0x3FC4]  }
0x91: {  	s18 =	sld [smem:$0x3FD0];
	(tm) =	ssettm $0x1  }
0x92: {  	s4 =	sld [smem:$0x3FFB];
	_ =	sdelay $0x3  }
0x93: {  	_ =	strace s4  }
0x94: {  	s4 =	sld [smem:$0x3FFC];
	_ =	sdelay $0x3  }
0x95: {  	_ =	strace s4  }
0x96: {  	s4 =	sld [smem:$0x3FFD];
	_ =	sdelay $0x3  }
0x97: {  	_ =	strace s4  }
0x98: {  	_ =	strace $0x8FFFFFFF  }
0x99: {  	s19 =	sld [smem:$0x3FDB];
	_ =	sdelay $0x1  }
0x9a: {  	s5 =	simm.s32 $_scs_section_size  }
0x9b: {  	s6 =	simm.s32 $_size__tile_overlayer_lowered;
	s7 =	simm.s32 $_tile_overlayer_lowered  }
0x9c: {  	s22 =	simm.s32 $0x1BFF;
	s21 =	sshll.u32 s7, $0x1;
	s4 =	sadd.s32 s5, s19  }
0x9d: {  	s8 =	simm.s32 $0x0;
	s20 =	sshll.u32 s6, $0x1;
	s6 =	sadd.s32 s21, s4  }
0x9e: {  	[timem:s8], [sflag:s22] =	dma.local [hbm:s6], s20  }
0x9f: {  	_ =	swait.ge [sflag:s22], s20  }
0xa0: {  	s5 =	ssub.s32 $0x0, s20;
	[sflag:s22] =	ssyncset.done $0x0  }
0xa1: {  	[sflag:s22] =	ssyncadd.s32 s5;
	_ =	sdelay $0x1  }
0xa2: {  	s23 =	simm.s32 $0x1B8B  }
0xa3: {  	_ =	swait.ge [sflag:s23], $0x1  }
0xa4: {  	[sflag:s23] =	ssyncset.done $0x0  }
0xa5: {  	s25 =	simm.s32 $0x1B8E;
	s24 =	sld [smem:$0x3FFE];
	[sflag:s23] =	ssyncadd.s32 $0xFFFFFFFF  }
0xa6: {  	s26 =	simm.s32 $execute0_lowered;
	[smem:$0x3FD2] =	sst s25  }
0xa7: {  	s6 =	sshll.u32 s26, $0x1;
	_ =	strace $0x80000046;
	[dreg:$0x1] =	wrdreg $0xFFFFFFFF  }
0xa8: {  	s28 =	simm.s32 $_size_execute0_lowered;
	s4 =	sadd.s32 s4, s6;
	[dreg:$0x0] =	wrdreg $0x0  }
0xa9: {  	s6 =	sshll.u32 s28, $0x1;
	[dreg:$0x2] =	wrdreg s4  }
0xaa: {  	[dreg:$0x3] =	wrdreg s6  }
0xab: {  	[dreg:$0x4] =	wrdreg $0xC0  }
0xac: {  	_ =	task [dreg:s8], $0x5FFFF  }
0xad: {  	[dreg:$0x1] =	wrdreg $0xFFFFFFFF  }
0xae: {  	[dreg:$0x0] =	wrdreg $0x60  }
0xaf: {  	[dreg:$0x2] =	wrdreg s24  }
0xb0: {  	[dreg:$0x3] =	wrdreg s2  }
0xb1: {  	[dreg:$0x4] =	wrdreg s18  }
0xb2: {  	[dreg:$0x5] =	wrdreg $0x9  }
0xb3: {  	_ =	task.clear_ibuf [dreg:s8], $0x6FFFF;
	_ =	strace $0x90000046  }
0xb4: {  	s29 =	simm.s32 $0x9;
	_ =	strace $0x80000048  }
0xb5: {  	_ =	swait.ge [sflag:s29], $0x1  }
0xb6: {  	[sflag:s29] =	ssyncadd.s32 $0xFFFFFFFF  }
0xb7: {  	_ =	strace $0x90000048  }
0xb8: {  	_ =	sfence  }
0xb9: {  	s30 =	sld [smem:$0x0];
	_ =	sdelay $0x2  }
0xba: {  	s31 =	sshll.u32 s1, $0xD;
	s1 =	sshrl.u32 s1, $0x2  }
0xbb: {  	s3 =	sand.u32 $0x4000, s31;
	s1 =	sadd.s32 s1, s30  }
0xbc: {  	s0 =	sor.u32 s3, s0;
	s1 =	sshll.u32 s1, $0x11  }
0xbd: {  	s0 =	sor.u32 s1, s0  }
0xbe: {  	s0 =	sadd.s32 $0x8F2B, s0  }
0xbf: {  	[sflag:s0] =	ssyncadd.remote.s32 $0x1  }
0xc0: {  	_ =	sfence.sel $0xFFFF  }
0xc1: {  	[dreg:$0x0] =	wrdreg $0xFFFFFFFF;
	(pc) =	sbr.abs _section_cstart, $3  }
0xc2: {  	[dreg:$0x1] =	wrdreg $0xFFFFFFFF  }
0xc3: {  	_ =	task.clear_ibuf [dreg:s8], $0x2FFFF;
	_ =	strace $0x9FFFFFFF  }
0xc4: {  	(tm) =	ssettm $0x7FFFFFFF  }
0xc5: {  	_ =	shalt  }
tec
execute0_lowered:
.L_overlay_start_1:
0x0: {  	(tag) =	ssettag $0x1  }
0x1: {  	s6 =	rddreg [dreg:$0x0]  }
0x2: {  	s1 =	rddreg [dreg:$0x1]  }
0x3: {  	s2 =	rddreg [dreg:$0x2]  }
0x4: {  	s0 =	rddreg [dreg:$0x3];
	_ =	strace $0x80000047;
	v0 =	vimm.f32 $5.000000070e-02  }
0x5: {  	(erf) = vrcp.f32 v0  }
0x6: {  	s3 =	srdreg.scid  }
0x7: {  	s4 =	sand.u32 $0x1, s3;
	s3 =	stileid.u32  }
0x8: {  	s5 =	sor.u32 s3, s4  }
0x9: {  	p0 =	sne.s32 s5, $0x0  }
.Ltmp0:
0xa: {  	_ = 	snop;
	(pc) =	sbr.rel @p0 .LBB2_3-.Ltmp0, $2  }
0xb: {  	_ =	sdelay $0x2  }
0xc: {  	v0 =	vpop (erf)  }
0xd: {  	v1 =	vimm.s32 $0x1  }
0xe: {  	v2 =	vimm.s32 $0x2;
	v3 =	vimm.s32 $0x0;
	v4 =	vlaneseq.u32  }
0xf: {  	v5 =	vimm.f32 $1.000000000e+00;
	v6 =	vadd.s32 $0x1, v4;
	v7 =	vadd.s32 $0x11, v4  }
0x10: {  	v8 =	vor.u32 $0x10, v4;
	v9 =	vadd.s32 $0x21, v4;
	v10 =	vor.u32 $0x20, v4  }
0x11: {  	v11 =	vadd.s32 $0x31, v4;
	v12 =	vor.u32 $0x30, v4;
	v13 =	vadd.s32 $0x41, v4  }
0x12: {  	v14 =	vor.u32 $0x40, v4;
	v15 =	vadd.s32 $0x51, v4;
	v16 =	vor.u32 $0x50, v4  }
0x13: {  	s7 =	ssub.s32 $0x2, s4;
	s4 =	sadd.s32 $0xA9E00, s6;
	s5 =	sadd.s32 $0x400, s6;
	v17 =	vadd.s32 $0x61, v4;
	v18 =	vor.u32 $0x60, v4;
	v19 =	vadd.s32 $0x71, v4  }
0x14: {  	s6 =	sadd.s32 $0xAA000, s6;
	s9 =	simm.s32 $0x1;
	s10 =	simm.s32 $0x80;
	v20 =	vor.u32 $0x70, v4;
	v21 =	vadd.s32 $0x81, v4;
	v22 =	vor.u32 $0x80, v4  }
0x15: {  	s11 =	simm.s32 $0x100;
	s12 =	simm.s32 $0x180;
	s8 =	sshrl.u32 s7, $0x1;
	v23 =	vadd.s32 $0x91, v4;
	v24 =	vor.u32 $0x90, v4;
	v25 =	vadd.s32 $0xA1, v4  }
0x16: {  	s13 =	simm.s32 $0x280;
	v26 =	vor.u32 $0xA0, v4;
	v27 =	vadd.s32 $0xB1, v4;
	v28 =	vor.u32 $0xB0, v4;
	s7 =	ssub.s32 s7, s8;
	s8 =	simm.s32 $0x0  }
.LBB2_2:
0x17: {  	[tilespmem:s8], [sflag:$0x1] =	stream.linear.gather [hbm4b:s4+s8], $0x80, $0x38;
	[tilespmem:$0x380] =	vst v63  }
0x18: {  	_ =	swait.ge [sflag:s9], $0x80  }
0x19: {  	[sflag:s9] =	ssyncset.done $0x0  }
0x1a: {  	[sflag:s9] =	ssyncadd.s32 $0xFFFFFF80  }
0x1b: {  	[tilespmem:s10], [sflag:$0x1] =	stream.linear.gather [hbm4b:s5+s8], $0x80, $0x38;
	[tilespmem:$0x380] =	vst v63  }
0x1c: {  	_ =	swait.ge [sflag:s9], $0x80  }
0x1d: {  	[sflag:s9] =	ssyncset.done $0x0  }
0x1e: {  	[sflag:s9] =	ssyncadd.s32 $0xFFFFFF80  }
0x1f: {  	[tilespmem:s11], [sflag:$0x1] =	stream.linear.gather [hbm4b:s6+s8], $0x80, $0x38;
	[tilespmem:$0x380] =	vst v63  }
0x20: {  	_ =	swait.ge [sflag:s9], $0x80  }
0x21: {  	[sflag:s9] =	ssyncset.done $0x0  }
0x22: {  	[sflag:s9] =	ssyncadd.s32 $0xFFFFFF80  }
0x23: {  	[tilespmem:s12], [sflag:$0x1] =	stream.linear.gather [hbm4b:s1+s8], $0x100, $0x38;
	[tilespmem:$0x380] =	vst v63  }
0x24: {  	_ =	swait.ge [sflag:s9], $0x100  }
0x25: {  	[sflag:s9] =	ssyncset.done $0x0  }
0x26: {  	[sflag:s9] =	ssyncadd.s32 $0xFFFFFF00  }
0x27: {  	v29 =	vld.idx.msk [tilespmem:v2+s8+$0x0], $0xffff;
	_ =	sdelay $0x4  }
0x28: {  	v30 =	vshra.s32 v29, $0x1  }
0x29: {  	v30 =	vadd.s32 $0x1FBD1DF5, v30  }
0x2a: {  	(erf) = vrcp.f32 v30;
	_ =	sdelay $0x8  }
0x2b: {  	v31 =	vpop (erf)  }
0x2c: {  	v31 =	vmul.f32 v31, v29;
	_ =	sdelay $0x1  }
0x2d: {  	v30 =	vadd.f32 v30, v31;
	_ =	sdelay $0x1  }
0x2e: {  	v30 =	vmul.f32 $5.000000000e-01, v30;
	_ =	sdelay $0x1  }
0x2f: {  	(erf) = vrcp.f32 v30;
	_ =	sdelay $0x8  }
0x30: {  	v31 =	vpop (erf)  }
0x31: {  	v31 =	vmul.f32 v31, v29;
	_ =	sdelay $0x1  }
0x32: {  	v30 =	vadd.f32 v31, v30;
	_ =	sdelay $0x1  }
0x33: {  	v30 =	vmul.f32 $5.000000000e-01, v30;
	_ =	sdelay $0x1  }
0x34: {  	(erf) = vrcp.f32 v30;
	_ =	sdelay $0x8  }
0x35: {  	v31 =	vpop (erf)  }
0x36: {  	v31 =	vmul.f32 v31, v29;
	_ =	sdelay $0x1  }
0x37: {  	v30 =	vadd.f32 v31, v30;
	_ =	sdelay $0x1  }
0x38: {  	v30 =	vmul.f32 $5.000000000e-01, v30;
	_ =	sdelay $0x1  }
0x39: {  	(erf) = vrcp.f32 v30;
	_ =	sdelay $0x8  }
0x3a: {  	v31 =	vpop (erf)  }
0x3b: {  	v31 =	vmul.f32 v31, v29;
	_ =	sdelay $0x1  }
0x3c: {  	v30 =	vadd.f32 v31, v30;
	_ =	sdelay $0x1  }
0x3d: {  	v30 =	vmul.f32 $5.000000000e-01, v30;
	_ =	sdelay $0x1  }
0x3e: {  	(erf) = vrcp.f32 v30;
	_ =	sdelay $0x8  }
0x3f: {  	v31 =	vpop (erf)  }
0x40: {  	v29 =	vmul.f32 v31, v29;
	_ =	sdelay $0x1  }
0x41: {  	v29 =	vadd.f32 v29, v30;
	_ =	sdelay $0x1  }
0x42: {  	v29 =	vmul.f32 $5.000000000e-01, v29;
	_ =	sdelay $0x1  }
0x43: {  	(erf) = vrcp.f32 v29;
	_ =	sdelay $0x4  }
0x44: {  	v29 =	vld.idx.msk [tilespmem:v1+s8+$0x0], $0xffff;
	_ =	sdelay $0x1  }
0x45: {  	v30 =	vld.idx.msk [tilespmem:v1+s10+$0x0], $0xffff;
	_ =	sdelay $0x1  }
0x46: {  	v31 =	vpop (erf)  }
0x47: {  	v29 =	vmul.f32 v31, v29;
	_ =	sdelay $0x1  }
0x48: {  	v29 =	vadd.f32 v29, v30;
	_ =	sdelay $0x1  }
0x49: {  	v29 =	vmul.f32 v29, v0;
	_ =	sdelay $0x1  }
0x4a: {  	v30 =	vtrunc.f32 v29  }
0x4b: {  	v31 =	vcvt.f32.s32 v30;
	vm0 =	vlt.f32 v29, v30  }
0x4c: {  	v29 =	vsel vm0, $0xFFFFFFFF, v3  }
0x4d: {  	v29 =	vadd.s32 v31, v29  }
0x4e: {  	v30 =	vsub.s32 $0x0, v29  }
0x4f: {  	v29 =	vmin.u32 v29, v30  }
0x50: {  	v29 =	vand.u32 $0xF, v29  }
0x51: {  	v30 =	vadd.s32 $0x1, v29;
	_ =	sdelay $0x3  }
0x52: {  	v29 =	vld.idx.msk [tilespmem:v29+s11+$0x0], $0xffff  }
0x53: {  	v30 =	vld.idx.msk [tilespmem:v30+s11+$0x0], $0xffff;
	_ =	sdelay $0x4  }
0x54: {  	v31 =	vsub.s32 v30, v29  }
0x55: {  	vm5 =	vgt.s32 v31, $0x0  }
0x56: {  	v31 =	vnsel vm5, $0x1, v31  }
0x57: {  	v31 =	vcvt.s32.f32 v31;
	_ =	sdelay $0x1  }
0x58: {  	(erf) = vrcp.f32 v31;
	v31 =	vsel vm5, $0x0, v5  }
0x59: {  	[tilespmem:$0x280] =	vst v31  }
0x5a: {  	[tilespmem:$0x290] =	vst v31  }
0x5b: {  	[tilespmem:$0x2A0] =	vst v31  }
0x5c: {  	[tilespmem:$0x2B0] =	vst v31  }
0x5d: {  	v32 =	vld [tilespmem:$0x180];
	[tilespmem:$0x2C0] =	vst v31  }
0x5e: {  	vm1 =	vlt.s32 v29, v6;
	vm2 =	vgt.s32 v30, v4;
	[tilespmem:$0x2D0] =	vst v31  }
0x5f: {  	vm1 =	vmand vm1, vm2;
	[tilespmem:$0x2E0] =	vst v31  }
0x60: {  	[tilespmem:$0x2F0] =	vst v31  }
0x61: {  	[tilespmem:$0x300] =	vst v31;
	v33 =	vpop (erf)  }
0x62: {  	[tilespmem:$0x310] =	vst v31;
	v33 =	vmul.f32 $1.920000000e+02, v33  }
0x63: {  	[tilespmem:$0x320] =	vst v31  }
0x64: {  	[tilespmem:$0x330] =	vst v31;
	v33 =	vnsel vm5, $0x3F800000, v33  }
0x65: {  	[tilespmem:v32+s13+$0x0] =	vst.idx.msk vm1, v33  }
0x66: {  	v31 =	vld [tilespmem:$0x190]  }
0x67: {  	vm6 =	vlt.s32 v29, v7;
	vm7 =	vgt.s32 v30, v8  }
0x68: {  	vm0 =	vmand vm6, vm7;
	_ =	sdelay $0x5  }
0x69: {  	[tilespmem:v31+s13+$0x0] =	vst.idx.msk vm0, v33  }
0x6a: {  	v31 =	vld [tilespmem:$0x1A0]  }
0x6b: {  	vm8 =	vlt.s32 v29, v9;
	vm9 =	vgt.s32 v30, v10  }
0x6c: {  	vm0 =	vmand vm8, vm9;
	_ =	sdelay $0x5  }
0x6d: {  	[tilespmem:v31+s13+$0x0] =	vst.idx.msk vm0, v33  }
0x6e: {  	v31 =	vld [tilespmem:$0x1B0]  }
0x6f: {  	vm10 =	vlt.s32 v29, v11;
	vm11 =	vgt.s32 v30, v12  }
0x70: {  	vm0 =	vmand vm10, vm11;
	_ =	sdelay $0x5  }
0x71: {  	[tilespmem:v31+s13+$0x0] =	vst.idx.msk vm0, v33  }
0x72: {  	v31 =	vld [tilespmem:$0x1C0]  }
0x73: {  	vm12 =	vlt.s32 v29, v13;
	vm13 =	vgt.s32 v30, v14  }
0x74: {  	vm0 =	vmand vm12, vm13;
	_ =	sdelay $0x5  }
0x75: {  	[tilespmem:v31+s13+$0x0] =	vst.idx.msk vm0, v33  }
0x76: {  	v31 =	vld [tilespmem:$0x1D0]  }
0x77: {  	vm14 =	vlt.s32 v29, v15;
	vm15 =	vgt.s32 v30, v16  }
0x78: {  	vm0 =	vmand vm14, vm15;
	_ =	sdelay $0x5  }
0x79: {  	[tilespmem:v31+s13+$0x0] =	vst.idx.msk vm0, v33  }
0x7a: {  	v31 =	vld [tilespmem:$0x1E0]  }
0x7b: {  	vm4 =	vlt.s32 v29, v17;
	vm5 =	vgt.s32 v30, v18  }
0x7c: {  	vm0 =	vmand vm4, vm5;
	_ =	sdelay $0x5  }
0x7d: {  	[tilespmem:v31+s13+$0x0] =	vst.idx.msk vm0, v33  }
0x7e: {  	v31 =	vld [tilespmem:$0x1F0]  }
0x7f: {  	vm6 =	vlt.s32 v29, v19;
	vm7 =	vgt.s32 v30, v20  }
0x80: {  	vm0 =	vmand vm6, vm7;
	_ =	sdelay $0x5  }
0x81: {  	[tilespmem:v31+s13+$0x0] =	vst.idx.msk vm0, v33  }
0x82: {  	v31 =	vld [tilespmem:$0x200]  }
0x83: {  	vm8 =	vlt.s32 v29, v21;
	vm9 =	vgt.s32 v30, v22  }
0x84: {  	vm0 =	vmand vm8, vm9;
	_ =	sdelay $0x5  }
0x85: {  	[tilespmem:v31+s13+$0x0] =	vst.idx.msk vm0, v33  }
0x86: {  	v31 =	vld [tilespmem:$0x210]  }
0x87: {  	vm10 =	vlt.s32 v29, v23;
	vm11 =	vgt.s32 v30, v24  }
0x88: {  	vm0 =	vmand vm10, vm11;
	_ =	sdelay $0x5  }
0x89: {  	[tilespmem:v31+s13+$0x0] =	vst.idx.msk vm0, v33  }
0x8a: {  	v31 =	vld [tilespmem:$0x220]  }
0x8b: {  	vm12 =	vlt.s32 v29, v25;
	vm13 =	vgt.s32 v30, v26  }
0x8c: {  	vm0 =	vmand vm12, vm13;
	_ =	sdelay $0x5  }
0x8d: {  	[tilespmem:v31+s13+$0x0] =	vst.idx.msk vm0, v33  }
0x8e: {  	v31 =	vld [tilespmem:$0x230]  }
0x8f: {  	vm14 =	vlt.s32 v29, v27;
	vm15 =	vgt.s32 v30, v28  }
0x90: {  	vm0 =	vmand vm14, vm15;
	_ =	sdelay $0x4  }
0x91: {  	p0 =	sne.s32 s7, $0x1  }
.Ltmp1:
0x92: {  	[tilespmem:v31+s13+$0x0] =	vst.idx.msk vm0, v33;
	(pc) =	sbr.rel @p0 .LBB2_2-.Ltmp1, $4  }
0x93: {  	[hbm4b:s2+s8] =	stream.linear.scatter [tilespmem:s13], [sflag:$0x1], $0x100, $0x38;
	[tilespmem:$0x380] =	vst v63  }
0x94: {  	_ =	swait.ge [sflag:s9], $0x100  }
0x95: {  	[sflag:s9] =	ssyncset.done $0x0  }
0x96: {  	s7 =	sadd.s32 $0xFFFFFFFF, s7;
	[sflag:s9] =	ssyncadd.s32 $0xFFFFFF00  }
.LBB2_3:
0x97: {  	_ =	sfence.sel $0x180000  }
0x98: {  	[bflag:$0x0] =	sbarrier.arrive $0xFFFF  }
0x99: {  	p0 =	sne.s32 s3, $0x0;
	_ =	strace $0x90000047  }
0x9a: {  	s0 =	sadd.s32 @!p0 $0x100000, s0;
	[bflag:$0x2] =	sbarrier.arrive $0xFFFF  }
0x9b: {  	[sflag:s0] =	ssyncadd.tile.s32 @!p0 $0x1;
	_ =	shalt  }
.Lfunc_end2:
_tile_overlayer_lowered:
.L_overlay_start_2:
0x9c: {  	(tag) =	ssettag $0x2  }
0x9d: {  	s0 =	rddreg [dreg:$0x0];
	s2 =	stileid.u32  }
0x9e: {  	s1 =	rddreg [dreg:$0x1];
	p0 =	sne.s32 s2, $0x0  }
0x9f: {  	s3 =	rddreg [dreg:$0x2];
	[bflag:$0x3] =	sbarrier.arrive $0xFFFF;
	s2 =	simm.s32 @!p0 $0x1C01  }
0xa0: {  	[timem:s3], [sflag:s2] =	dma.local @!p0 [hbm:s0], s1  }
0xa1: {  	s0 =	simm.s32 @!p0 $0x1  }
0xa2: {  	_ =	swait.ge @!p0 [sflag:s0], s1  }
0xa3: {  	s1 =	ssub.s32 @!p0 $0x0, s1;
	[sflag:s0] =	ssyncset.done @!p0 $0x0  }
0xa4: {  	[sflag:s0] =	ssyncadd.s32 @!p0 s1  }
0xa5: {  	[bflag:$0x3] =	sbarrier.arrive $0xFFFF  }
0xa6: {  	_ =	shalt  }

</sc_bundles>
